<compile_context>
chip_gen: v7x
topology: tpu7x:2x2x1
jax: 0.10.2.dev20260603
libtpu: 0.0.44.dev20260713+nightly
codegen_flags: <defaults>
</compile_context>

<pallas_src>
import functools

import jax
import jax.numpy as jnp
from jax import lax
from jax.experimental import pallas as pl
from jax.experimental.pallas import tpu as pltpu
from jax.experimental.pallas import tpu_sc as plsc

_N = 20000
_K = 6000
_NOUT = 300
_IOU = 0.7
_SCALE = 1000.0
_ROWS = 160
_LANES = 128
_P = _ROWS * _LANES
_C = 6144
_CROWS = 48
_OUTLEN = _C + (_P - _K)
_NEG = -1e9

_NWORKERS = 32
_PER_W = _P // _NWORKERS
_CHUNK = 128


def _prep_body(c0_ref, c1_ref, c2_ref, c3_ref, s_ref,
               ox1, oy1, ox2, oy2, opos):
    f32 = jnp.float32
    i32 = jnp.int32
    imin = jnp.int32(-2147483648)

    row_i = lax.broadcasted_iota(i32, (_ROWS, _LANES), 0)
    lane_i = lax.broadcasted_iota(i32, (_ROWS, _LANES), 1)
    flat_i = row_i * _LANES + lane_i
    valid = flat_i < _N

    b0 = c0_ref[:] * _SCALE
    b1 = c1_ref[:] * _SCALE
    b2 = c2_ref[:] * _SCALE
    b3 = c3_ref[:] * _SCALE
    x1 = jnp.minimum(b0, b2)
    x2 = jnp.maximum(b0, b2)
    y1 = jnp.minimum(b1, b3)
    y2 = jnp.maximum(b1, b3)
    scores = s_ref[:]

    bits = lax.bitcast_convert_type(scores, i32)
    akey = bits ^ (lax.shift_right_arithmetic(bits, 31) & jnp.int32(0x7FFFFFFF))
    akey = jnp.where(valid, akey, imin)
    inv = _P - flat_i

    Tf = imin
    Ti = jnp.int32(0)
    for b in range(31, -1, -1):
        trial = (Tf ^ imin) if b == 31 else (Tf | jnp.int32(1 << b))
        cnt = jnp.sum((akey >= trial).astype(i32))
        Tf = jnp.where(cnt >= _K, trial, Tf)
    for b in range(14, -1, -1):
        trial = Ti | jnp.int32(1 << b)
        cond = (akey > Tf) | ((akey == Tf) & (inv >= trial))
        cnt = jnp.sum(cond.astype(i32))
        Ti = jnp.where(cnt >= _K, trial, Ti)
    in_set = (akey > Tf) | ((akey == Tf) & (inv >= Ti))

    bf16 = jnp.bfloat16
    mask_bf = in_set.astype(bf16)
    up = (lax.broadcasted_iota(i32, (_LANES, _LANES), 0)
          < lax.broadcasted_iota(i32, (_LANES, _LANES), 1)).astype(bf16)
    lane_excl = lax.dot_general(mask_bf, up, (((1,), (0,)), ((), ())),
                                preferred_element_type=jnp.float32)
    rowsum = jnp.sum(in_set.astype(f32), axis=1, keepdims=True)
    lo = (lax.broadcasted_iota(i32, (_ROWS, _ROWS), 0)
          > lax.broadcasted_iota(i32, (_ROWS, _ROWS), 1)).astype(bf16)
    row_excl = lax.dot_general(lo, rowsum.astype(bf16), (((1,), (0,)), ((), ())),
                               preferred_element_type=jnp.float32)
    rank = (row_excl + lane_excl).astype(i32)
    pos = jnp.where(in_set, rank, _C + flat_i - rank)

    ox1[:] = x1
    oy1[:] = y1
    ox2[:] = x2
    oy2[:] = y2
    opos[:] = pos


def _sc_scatter_body(pos_hbm, x1_hbm, y1_hbm, x2_hbm, y2_hbm, s_hbm,
                     o1, o2, o3, o4, o5, idx_v, val_v, sem_in, sem_out):
    wid = lax.axis_index("s") * 2 + lax.axis_index("c")
    base = wid * _PER_W
    comps_in = (x1_hbm, y1_hbm, x2_hbm, y2_hbm, s_hbm)
    comps_out = (o1, o2, o3, o4, o5)

    @pl.loop(0, _PER_W, step=_CHUNK)
    def _(off):
        start = base + off
        sl = pl.ds(start, _CHUNK)
        loads = [pltpu.async_copy(pos_hbm.at[sl], idx_v, sem_in)]
        for c in range(5):
            loads.append(
                pltpu.async_copy(comps_in[c].at[sl], val_v.at[c], sem_in))
        for h in loads:
            h.wait()
        stores = []
        for c in range(5):
            stores.append(
                pltpu.async_copy(val_v.at[c], comps_out[c].at[idx_v], sem_out))
        for h in stores:
            h.wait()


def _nms_body(x1_ref, y1_ref, x2_ref, y2_ref, s_ref, out_ref):
    f32 = jnp.float32
    i32 = jnp.int32

    row_i = lax.broadcasted_iota(i32, (_CROWS, _LANES), 0)
    lane_i = lax.broadcasted_iota(i32, (_CROWS, _LANES), 1)
    flat_i = row_i * _LANES + lane_i
    lane1 = lax.broadcasted_iota(i32, (1, _LANES), 1)

    x1 = x1_ref[:]
    y1 = y1_ref[:]
    x2 = x2_ref[:]
    y2 = y2_ref[:]
    s0 = jnp.where(flat_i < _K, s_ref[:], f32(_NEG))
    areas = (x2 - x1) * (y2 - y1)
    neg_inf = f32(-jnp.inf)

    def pick(ref, row, lmask):
        v = ref[pl.ds(row, 1), :]
        return jnp.max(jnp.where(lmask, v, neg_inf))

    def step(i, carry):
        s, dx1, dy1, dx2, dy2, ds = carry
        m = jnp.max(s)
        idx = jnp.min(jnp.where(s == m, flat_i, _C))
        mask2 = flat_i == idx
        row = idx // _LANES
        lmask = lane1 == (idx - row * _LANES)
        sx1 = pick(x1_ref, row, lmask)
        sy1 = pick(y1_ref, row, lmask)
        sx2 = pick(x2_ref, row, lmask)
        sy2 = pick(y2_ref, row, lmask)
        ssc = pick(s_ref, row, lmask)

        is_deg = m == f32(_NEG)
        dx1 = jnp.where(i == 0, sx1, dx1)
        dy1 = jnp.where(i == 0, sy1, dy1)
        dx2 = jnp.where(i == 0, sx2, dx2)
        dy2 = jnp.where(i == 0, sy2, dy2)
        ds = jnp.where(i == 0, ssc, ds)
        sx1 = jnp.where(is_deg, dx1, sx1)
        sy1 = jnp.where(is_deg, dy1, sy1)
        sx2 = jnp.where(is_deg, dx2, sx2)
        sy2 = jnp.where(is_deg, dy2, sy2)
        ssc = jnp.where(is_deg, ds, ssc)

        xx1 = jnp.maximum(sx1, x1)
        yy1 = jnp.maximum(sy1, y1)
        xx2 = jnp.minimum(sx2, x2)
        yy2 = jnp.minimum(sy2, y2)
        w = jnp.maximum(xx2 - xx1, f32(0.0))
        h = jnp.maximum(yy2 - yy1, f32(0.0))
        inter = w * h
        sel_area = (sx2 - sx1) * (sy2 - sy1)
        iou = inter / (areas + sel_area - inter + f32(1e-9))
        s = jnp.where((iou > f32(_IOU)) | mask2, f32(_NEG), s)

        out = (jnp.where(lane1 == 0, sx1, f32(0.0))
               + jnp.where(lane1 == 1, sy1, f32(0.0))
               + jnp.where(lane1 == 2, sx2, f32(0.0))
               + jnp.where(lane1 == 3, sy2, f32(0.0))
               + jnp.where(lane1 == 4, ssc, f32(0.0)))
        out_ref[pl.ds(i, 1), :] = out
        return (s, dx1, dy1, dx2, dy2, ds)

    zero = f32(0.0)
    lax.fori_loop(0, _NOUT, step, (s0, zero, zero, zero, zero, zero))


@jax.jit
def kernel(boxes, scores):
    pad = _P - _N
    comps = [
        jnp.pad(boxes[:, i], (0, pad)).reshape(_ROWS, _LANES) for i in range(4)
    ]
    s = jnp.pad(scores, (0, pad)).reshape(_ROWS, _LANES)

    shp = jax.ShapeDtypeStruct((_ROWS, _LANES), jnp.float32)
    x1, y1, x2, y2, pos = pl.pallas_call(
        _prep_body,
        out_shape=[shp, shp, shp, shp,
                   jax.ShapeDtypeStruct((_ROWS, _LANES), jnp.int32)],
    )(*comps, s)

    mesh = plsc.VectorSubcoreMesh(core_axis_name="c", subcore_axis_name="s")
    flat_f32 = jax.ShapeDtypeStruct((_OUTLEN,), jnp.float32)
    sc_scatter = pl.kernel(
        _sc_scatter_body,
        out_type=[flat_f32] * 5,
        mesh=mesh,
        scratch_types=[
            pltpu.VMEM((_CHUNK,), jnp.int32),
            pltpu.VMEM((5, _CHUNK), jnp.float32),
            pltpu.SemaphoreType.DMA,
            pltpu.SemaphoreType.DMA,
        ],
    )
    cx1, cy1, cx2, cy2, cs = sc_scatter(
        pos.reshape(_P), x1.reshape(_P), y1.reshape(_P),
        x2.reshape(_P), y2.reshape(_P), s.reshape(_P))

    out = pl.pallas_call(
        _nms_body,
        out_shape=jax.ShapeDtypeStruct((_NOUT, _LANES), jnp.float32),
    )(cx1[:_C].reshape(_CROWS, _LANES), cy1[:_C].reshape(_CROWS, _LANES),
      cx2[:_C].reshape(_CROWS, _LANES), cy2[:_C].reshape(_CROWS, _LANES),
      cs[:_C].reshape(_CROWS, _LANES))
    return out[:, :5]

# --- scband reference (transcript-rebuilt; emitter-appended) ---
"""Pipeline reference for scband-faster-rcnn-78735340470369 (READ-ONLY COPY).

The authoritative reference and input builder live on the scoring server;
editing this copy changes nothing except your own understanding.
"""

import jax, jax.numpy as jnp
import numpy as np

N = 20000
PRE_NMS_TOPK = 6000
POST_NMS_TOPK = 300
IOU_THRESH = 0.7
IMG_SCALE = 1000.0


def setup_inputs(seed: int = 0) -> dict:
    key = jax.random.key(seed)
    k1, k2 = jax.random.split(key)
    boxes = jax.random.uniform(k1, (N, 4), dtype=jnp.float32)
    scores = jax.random.normal(k2, (N,), dtype=jnp.float32)
    return {"boxes": boxes, "scores": scores}


def reference(boxes, scores):
    # Decode/clip step of proposal_layer: scale to image coords and order corners
    b = boxes * IMG_SCALE
    x1 = jnp.minimum(b[:, 0], b[:, 2])
    x2 = jnp.maximum(b[:, 0], b[:, 2])
    y1 = jnp.minimum(b[:, 1], b[:, 3])
    y2 = jnp.maximum(b[:, 1], b[:, 3])
    bxs = jnp.stack([x1, y1, x2, y2], axis=1)

    # pre-NMS top-k by objectness score
    top_scores, top_idx = jax.lax.top_k(scores, PRE_NMS_TOPK)
    top_boxes = jnp.take(bxs, top_idx, axis=0)

    areas = (top_boxes[:, 2] - top_boxes[:, 0]) * (top_boxes[:, 3] - top_boxes[:, 1])

    def step(s, _):
        idx = jnp.argmax(s)
        sel_box = top_boxes[idx]
        sel_score = top_scores[idx]
        xx1 = jnp.maximum(sel_box[0], top_boxes[:, 0])
        yy1 = jnp.maximum(sel_box[1], top_boxes[:, 1])
        xx2 = jnp.minimum(sel_box[2], top_boxes[:, 2])
        yy2 = jnp.minimum(sel_box[3], top_boxes[:, 3])
        w = jnp.maximum(xx2 - xx1, 0.0)
        h = jnp.maximum(yy2 - yy1, 0.0)
        inter = w * h
        sel_area = (sel_box[2] - sel_box[0]) * (sel_box[3] - sel_box[1])
        iou = inter / (areas + sel_area - inter + 1e-9)
        s_new = jnp.where(iou > IOU_THRESH, -1e9, s)
        s_new = s_new.at[idx].set(-1e9)
        return s_new, (sel_box, sel_score)

    _, (kept_boxes, kept_scores) = jax.lax.scan(step, top_scores, None, length=POST_NMS_TOPK)
    # rois [300, 5]: (x1, y1, x2, y2, score) like proposal_layer output
    return jnp.concatenate([kept_boxes, kept_scores[:, None]], axis=1)

if __name__ == "__main__":
    import jax
    _d = setup_inputs()
    print(jax.jit(kernel)(*tuple(_d.values())))

</pallas_src>

<mosaic_0001>
#map = affine_map<(d0, d1) -> (0)>
module attributes {stable_mosaic.version = 14 : i64} {
  func.func @_sc_scatter_body(%arg0: i32, %arg1: i32, %arg2: memref<20480xi32, #tpu.memory_space<hbm>>, %arg3: memref<20480xf32, #tpu.memory_space<hbm>>, %arg4: memref<20480xf32, #tpu.memory_space<hbm>>, %arg5: memref<20480xf32, #tpu.memory_space<hbm>>, %arg6: memref<20480xf32, #tpu.memory_space<hbm>>, %arg7: memref<20480xf32, #tpu.memory_space<hbm>>, %arg8: memref<20624xf32, #tpu.memory_space<hbm>>, %arg9: memref<20624xf32, #tpu.memory_space<hbm>>, %arg10: memref<20624xf32, #tpu.memory_space<hbm>>, %arg11: memref<20624xf32, #tpu.memory_space<hbm>>, %arg12: memref<20624xf32, #tpu.memory_space<hbm>>, %arg13: memref<128xi32, #tpu.memory_space<vmem>>, %arg14: memref<5x128xf32, #tpu.memory_space<vmem>>, %arg15: memref<!tpu.dma_semaphore, #tpu.memory_space<semaphore_mem>>, %arg16: memref<!tpu.dma_semaphore, #tpu.memory_space<semaphore_mem>>) attributes {dimension_semantics = [#tpu.dimension_semantics<core_parallel>, #tpu.dimension_semantics<subcore_parallel>], iteration_bounds = array<i64: 2, 16>, scalar_prefetch = 0 : i64, scratch_operands = 4 : i64, tpu.core_type = #tpu.core_type<sc_vector_subcore>, window_params = [{transform_indices = #map}, {transform_indices = #map}, {transform_indices = #map}, {transform_indices = #map}, {transform_indices = #map}, {transform_indices = #map}, {transform_indices = #map}, {transform_indices = #map}, {transform_indices = #map}, {transform_indices = #map}, {transform_indices = #map}]} {
    %mul3A = arith.constant 2 : i32
    %mul3A_0 = arith.muli %arg1, %mul3A : i32
    %add3A = arith.addi %mul3A_0, %arg0 : i32
    %mul3A_1 = arith.constant 640 : i32
    %mul3A_2 = arith.muli %add3A, %mul3A_1 : i32
    %scan3A = arith.constant 0 : i32
    %scan3A_3 = arith.constant 5 : i32
    %scan3A_4 = arith.addi %scan3A, %scan3A_3 : i32
    %scan3A_5 = arith.constant 1 : i32
    scf.for %scan3A_7 = %scan3A to %scan3A_4 step %scan3A_5  : i32 {
      %mul3A_8 = arith.constant 128 : i32
      %mul3A_9 = arith.muli %scan3A_7, %mul3A_8 : i32
      %add3A_10 = arith.constant 0 : i32
      %add3A_11 = arith.addi %add3A_10, %mul3A_9 : i32
      %add3A_12 = arith.addi %mul3A_2, %add3A_11 : i32
      %dma_start3A = tpu.memref_slice %arg2[%add3A_12] : memref<20480xi32, #tpu.memory_space<hbm>> -> memref<128xi32, #tpu.memory_space<hbm>>
      %dma_start3A_13 = tpu.memref_slice %arg2[%add3A_12] : memref<20480xi32, #tpu.memory_space<hbm>> -> memref<128xi32, #tpu.memory_space<hbm>>
      tpu.enqueue_dma source(%dma_start3A_13 : memref<128xi32, #tpu.memory_space<hbm>>) target(%arg13 : memref<128xi32, #tpu.memory_space<vmem>>) target_semaphore(%arg15 : memref<!tpu.dma_semaphore, #tpu.memory_space<semaphore_mem>>)
      %dma_start3A_14 = arith.constant 0 : i32
      %dma_start3A_15 = arith.constant 0 : i32
      %dma_start3A_16 = tpu.memref_slice %arg14[%dma_start3A_14, %dma_start3A_15] : memref<5x128xf32, #tpu.memory_space<vmem>> -> memref<1x128xf32, #tpu.memory_space<vmem>>
      %dma_start3A_17 = tpu.memref_squeeze %dma_start3A_16 : memref<1x128xf32, #tpu.memory_space<vmem>> -> memref<128xf32, #tpu.memory_space<vmem>>
      %dma_start3A_18 = tpu.memref_slice %arg3[%add3A_12] : memref<20480xf32, #tpu.memory_space<hbm>> -> memref<128xf32, #tpu.memory_space<hbm>>
      %dma_start3A_19 = arith.constant 0 : i32
      %dma_start3A_20 = tpu.memref_slice %arg14[%dma_start3A_14, %dma_start3A_19] : memref<5x128xf32, #tpu.memory_space<vmem>> -> memref<1x128xf32, #tpu.memory_space<vmem>>
      %dma_start3A_21 = tpu.memref_squeeze %dma_start3A_20 : memref<1x128xf32, #tpu.memory_space<vmem>> -> memref<128xf32, #tpu.memory_space<vmem>>
      %dma_start3A_22 = tpu.memref_slice %arg3[%add3A_12] : memref<20480xf32, #tpu.memory_space<hbm>> -> memref<128xf32, #tpu.memory_space<hbm>>
      tpu.enqueue_dma source(%dma_start3A_22 : memref<128xf32, #tpu.memory_space<hbm>>) target(%dma_start3A_21 : memref<128xf32, #tpu.memory_space<vmem>>) target_semaphore(%arg15 : memref<!tpu.dma_semaphore, #tpu.memory_space<semaphore_mem>>)
      %dma_start3A_23 = arith.constant 1 : i32
      %dma_start3A_24 = arith.constant 0 : i32
      %dma_start3A_25 = tpu.memref_slice %arg14[%dma_start3A_23, %dma_start3A_24] : memref<5x128xf32, #tpu.memory_space<vmem>> -> memref<1x128xf32, #tpu.memory_space<vmem>>
      %dma_start3A_26 = tpu.memref_squeeze %dma_start3A_25 : memref<1x128xf32, #tpu.memory_space<vmem>> -> memref<128xf32, #tpu.memory_space<vmem>>
      %dma_start3A_27 = tpu.memref_slice %arg4[%add3A_12] : memref<20480xf32, #tpu.memory_space<hbm>> -> memref<128xf32, #tpu.memory_space<hbm>>
      %dma_start3A_28 = arith.constant 0 : i32
      %dma_start3A_29 = tpu.memref_slice %arg14[%dma_start3A_23, %dma_start3A_28] : memref<5x128xf32, #tpu.memory_space<vmem>> -> memref<1x128xf32, #tpu.memory_space<vmem>>
      %dma_start3A_30 = tpu.memref_squeeze %dma_start3A_29 : memref<1x128xf32, #tpu.memory_space<vmem>> -> memref<128xf32, #tpu.memory_space<vmem>>
      %dma_start3A_31 = tpu.memref_slice %arg4[%add3A_12] : memref<20480xf32, #tpu.memory_space<hbm>> -> memref<128xf32, #tpu.memory_space<hbm>>
      tpu.enqueue_dma source(%dma_start3A_31 : memref<128xf32, #tpu.memory_space<hbm>>) target(%dma_start3A_30 : memref<128xf32, #tpu.memory_space<vmem>>) target_semaphore(%arg15 : memref<!tpu.dma_semaphore, #tpu.memory_space<semaphore_mem>>)
      %dma_start3A_32 = arith.constant 2 : i32
      %dma_start3A_33 = arith.constant 0 : i32
      %dma_start3A_34 = tpu.memref_slice %arg14[%dma_start3A_32, %dma_start3A_33] : memref<5x128xf32, #tpu.memory_space<vmem>> -> memref<1x128xf32, #tpu.memory_space<vmem>>
      %dma_start3A_35 = tpu.memref_squeeze %dma_start3A_34 : memref<1x128xf32, #tpu.memory_space<vmem>> -> memref<128xf32, #tpu.memory_space<vmem>>
      %dma_start3A_36 = tpu.memref_slice %arg5[%add3A_12] : memref<20480xf32, #tpu.memory_space<hbm>> -> memref<128xf32, #tpu.memory_space<hbm>>
      %dma_start3A_37 = arith.constant 0 : i32
      %dma_start3A_38 = tpu.memref_slice %arg14[%dma_start3A_32, %dma_start3A_37] : memref<5x128xf32, #tpu.memory_space<vmem>> -> memref<1x128xf32, #tpu.memory_space<vmem>>
      %dma_start3A_39 = tpu.memref_squeeze %dma_start3A_38 : memref<1x128xf32, #tpu.memory_space<vmem>> -> memref<128xf32, #tpu.memory_space<vmem>>
      %dma_start3A_40 = tpu.memref_slice %arg5[%add3A_12] : memref<20480xf32, #tpu.memory_space<hbm>> -> memref<128xf32, #tpu.memory_space<hbm>>
      tpu.enqueue_dma source(%dma_start3A_40 : memref<128xf32, #tpu.memory_space<hbm>>) target(%dma_start3A_39 : memref<128xf32, #tpu.memory_space<vmem>>) target_semaphore(%arg15 : memref<!tpu.dma_semaphore, #tpu.memory_space<semaphore_mem>>)
      %dma_start3A_41 = arith.constant 3 : i32
      %dma_start3A_42 = arith.constant 0 : i32
      %dma_start3A_43 = tpu.memref_slice %arg14[%dma_start3A_41, %dma_start3A_42] : memref<5x128xf32, #tpu.memory_space<vmem>> -> memref<1x128xf32, #tpu.memory_space<vmem>>
      %dma_start3A_44 = tpu.memref_squeeze %dma_start3A_43 : memref<1x128xf32, #tpu.memory_space<vmem>> -> memref<128xf32, #tpu.memory_space<vmem>>
      %dma_start3A_45 = tpu.memref_slice %arg6[%add3A_12] : memref<20480xf32, #tpu.memory_space<hbm>> -> memref<128xf32, #tpu.memory_space<hbm>>
      %dma_start3A_46 = arith.constant 0 : i32
      %dma_start3A_47 = tpu.memref_slice %arg14[%dma_start3A_41, %dma_start3A_46] : memref<5x128xf32, #tpu.memory_space<vmem>> -> memref<1x128xf32, #tpu.memory_space<vmem>>
      %dma_start3A_48 = tpu.memref_squeeze %dma_start3A_47 : memref<1x128xf32, #tpu.memory_space<vmem>> -> memref<128xf32, #tpu.memory_space<vmem>>
      %dma_start3A_49 = tpu.memref_slice %arg6[%add3A_12] : memref<20480xf32, #tpu.memory_space<hbm>> -> memref<128xf32, #tpu.memory_space<hbm>>
      tpu.enqueue_dma source(%dma_start3A_49 : memref<128xf32, #tpu.memory_space<hbm>>) target(%dma_start3A_48 : memref<128xf32, #tpu.memory_space<vmem>>) target_semaphore(%arg15 : memref<!tpu.dma_semaphore, #tpu.memory_space<semaphore_mem>>)
      %dma_start3A_50 = arith.constant 4 : i32
      %dma_start3A_51 = arith.constant 0 : i32
      %dma_start3A_52 = tpu.memref_slice %arg14[%dma_start3A_50, %dma_start3A_51] : memref<5x128xf32, #tpu.memory_space<vmem>> -> memref<1x128xf32, #tpu.memory_space<vmem>>
      %dma_start3A_53 = tpu.memref_squeeze %dma_start3A_52 : memref<1x128xf32, #tpu.memory_space<vmem>> -> memref<128xf32, #tpu.memory_space<vmem>>
      %dma_start3A_54 = tpu.memref_slice %arg7[%add3A_12] : memref<20480xf32, #tpu.memory_space<hbm>> -> memref<128xf32, #tpu.memory_space<hbm>>
      %dma_start3A_55 = arith.constant 0 : i32
      %dma_start3A_56 = tpu.memref_slice %arg14[%dma_start3A_50, %dma_start3A_55] : memref<5x128xf32, #tpu.memory_space<vmem>> -> memref<1x128xf32, #tpu.memory_space<vmem>>
      %dma_start3A_57 = tpu.memref_squeeze %dma_start3A_56 : memref<1x128xf32, #tpu.memory_space<vmem>> -> memref<128xf32, #tpu.memory_space<vmem>>
      %dma_start3A_58 = tpu.memref_slice %arg7[%add3A_12] : memref<20480xf32, #tpu.memory_space<hbm>> -> memref<128xf32, #tpu.memory_space<hbm>>
      tpu.enqueue_dma source(%dma_start3A_58 : memref<128xf32, #tpu.memory_space<hbm>>) target(%dma_start3A_57 : memref<128xf32, #tpu.memory_space<vmem>>) target_semaphore(%arg15 : memref<!tpu.dma_semaphore, #tpu.memory_space<semaphore_mem>>)
      %dma_wait3A = tpu.memref_slice %arg2[%add3A_12] : memref<20480xi32, #tpu.memory_space<hbm>> -> memref<128xi32, #tpu.memory_space<hbm>>
      %dma_wait3A_59 = tpu.memref_slice %arg2[%add3A_12] : memref<20480xi32, #tpu.memory_space<hbm>> -> memref<128xi32, #tpu.memory_space<hbm>>
      tpu.wait_dma2 semaphore(%arg15 : memref<!tpu.dma_semaphore, #tpu.memory_space<semaphore_mem>>) src(%dma_wait3A_59 : memref<128xi32, #tpu.memory_space<hbm>>) dst(%arg13 : memref<128xi32, #tpu.memory_space<vmem>>)
      %dma_wait3A_60 = arith.constant 0 : i32
      %dma_wait3A_61 = arith.constant 0 : i32
      %dma_wait3A_62 = tpu.memref_slice %arg14[%dma_wait3A_60, %dma_wait3A_61] : memref<5x128xf32, #tpu.memory_space<vmem>> -> memref<1x128xf32, #tpu.memory_space<vmem>>
      %dma_wait3A_63 = tpu.memref_squeeze %dma_wait3A_62 : memref<1x128xf32, #tpu.memory_space<vmem>> -> memref<128xf32, #tpu.memory_space<vmem>>
      %dma_wait3A_64 = tpu.memref_slice %arg3[%add3A_12] : memref<20480xf32, #tpu.memory_space<hbm>> -> memref<128xf32, #tpu.memory_space<hbm>>
      %dma_wait3A_65 = arith.constant 0 : i32
      %dma_wait3A_66 = tpu.memref_slice %arg14[%dma_wait3A_60, %dma_wait3A_65] : memref<5x128xf32, #tpu.memory_space<vmem>> -> memref<1x128xf32, #tpu.memory_space<vmem>>
      %dma_wait3A_67 = tpu.memref_squeeze %dma_wait3A_66 : memref<1x128xf32, #tpu.memory_space<vmem>> -> memref<128xf32, #tpu.memory_space<vmem>>
      %dma_wait3A_68 = tpu.memref_slice %arg3[%add3A_12] : memref<20480xf32, #tpu.memory_space<hbm>> -> memref<128xf32, #tpu.memory_space<hbm>>
      tpu.wait_dma2 semaphore(%arg15 : memref<!tpu.dma_semaphore, #tpu.memory_space<semaphore_mem>>) src(%dma_wait3A_68 : memref<128xf32, #tpu.memory_space<hbm>>) dst(%dma_wait3A_67 : memref<128xf32, #tpu.memory_space<vmem>>)
      %dma_wait3A_69 = arith.constant 1 : i32
      %dma_wait3A_70 = arith.constant 0 : i32
      %dma_wait3A_71 = tpu.memref_slice %arg14[%dma_wait3A_69, %dma_wait3A_70] : memref<5x128xf32, #tpu.memory_space<vmem>> -> memref<1x128xf32, #tpu.memory_space<vmem>>
      %dma_wait3A_72 = tpu.memref_squeeze %dma_wait3A_71 : memref<1x128xf32, #tpu.memory_space<vmem>> -> memref<128xf32, #tpu.memory_space<vmem>>
      %dma_wait3A_73 = tpu.memref_slice %arg4[%add3A_12] : memref<20480xf32, #tpu.memory_space<hbm>> -> memref<128xf32, #tpu.memory_space<hbm>>
      %dma_wait3A_74 = arith.constant 0 : i32
      %dma_wait3A_75 = tpu.memref_slice %arg14[%dma_wait3A_69, %dma_wait3A_74] : memref<5x128xf32, #tpu.memory_space<vmem>> -> memref<1x128xf32, #tpu.memory_space<vmem>>
      %dma_wait3A_76 = tpu.memref_squeeze %dma_wait3A_75 : memref<1x128xf32, #tpu.memory_space<vmem>> -> memref<128xf32, #tpu.memory_space<vmem>>
      %dma_wait3A_77 = tpu.memref_slice %arg4[%add3A_12] : memref<20480xf32, #tpu.memory_space<hbm>> -> memref<128xf32, #tpu.memory_space<hbm>>
      tpu.wait_dma2 semaphore(%arg15 : memref<!tpu.dma_semaphore, #tpu.memory_space<semaphore_mem>>) src(%dma_wait3A_77 : memref<128xf32, #tpu.memory_space<hbm>>) dst(%dma_wait3A_76 : memref<128xf32, #tpu.memory_space<vmem>>)
      %dma_wait3A_78 = arith.constant 2 : i32
      %dma_wait3A_79 = arith.constant 0 : i32
      %dma_wait3A_80 = tpu.memref_slice %arg14[%dma_wait3A_78, %dma_wait3A_79] : memref<5x128xf32, #tpu.memory_space<vmem>> -> memref<1x128xf32, #tpu.memory_space<vmem>>
      %dma_wait3A_81 = tpu.memref_squeeze %dma_wait3A_80 : memref<1x128xf32, #tpu.memory_space<vmem>> -> memref<128xf32, #tpu.memory_space<vmem>>
      %dma_wait3A_82 = tpu.memref_slice %arg5[%add3A_12] : memref<20480xf32, #tpu.memory_space<hbm>> -> memref<128xf32, #tpu.memory_space<hbm>>
      %dma_wait3A_83 = arith.constant 0 : i32
      %dma_wait3A_84 = tpu.memref_slice %arg14[%dma_wait3A_78, %dma_wait3A_83] : memref<5x128xf32, #tpu.memory_space<vmem>> -> memref<1x128xf32, #tpu.memory_space<vmem>>
      %dma_wait3A_85 = tpu.memref_squeeze %dma_wait3A_84 : memref<1x128xf32, #tpu.memory_space<vmem>> -> memref<128xf32, #tpu.memory_space<vmem>>
      %dma_wait3A_86 = tpu.memref_slice %arg5[%add3A_12] : memref<20480xf32, #tpu.memory_space<hbm>> -> memref<128xf32, #tpu.memory_space<hbm>>
      tpu.wait_dma2 semaphore(%arg15 : memref<!tpu.dma_semaphore, #tpu.memory_space<semaphore_mem>>) src(%dma_wait3A_86 : memref<128xf32, #tpu.memory_space<hbm>>) dst(%dma_wait3A_85 : memref<128xf32, #tpu.memory_space<vmem>>)
      %dma_wait3A_87 = arith.constant 3 : i32
      %dma_wait3A_88 = arith.constant 0 : i32
      %dma_wait3A_89 = tpu.memref_slice %arg14[%dma_wait3A_87, %dma_wait3A_88] : memref<5x128xf32, #tpu.memory_space<vmem>> -> memref<1x128xf32, #tpu.memory_space<vmem>>
      %dma_wait3A_90 = tpu.memref_squeeze %dma_wait3A_89 : memref<1x128xf32, #tpu.memory_space<vmem>> -> memref<128xf32, #tpu.memory_space<vmem>>
      %dma_wait3A_91 = tpu.memref_slice %arg6[%add3A_12] : memref<20480xf32, #tpu.memory_space<hbm>> -> memref<128xf32, #tpu.memory_space<hbm>>
      %dma_wait3A_92 = arith.constant 0 : i32
      %dma_wait3A_93 = tpu.memref_slice %arg14[%dma_wait3A_87, %dma_wait3A_92] : memref<5x128xf32, #tpu.memory_space<vmem>> -> memref<1x128xf32, #tpu.memory_space<vmem>>
      %dma_wait3A_94 = tpu.memref_squeeze %dma_wait3A_93 : memref<1x128xf32, #tpu.memory_space<vmem>> -> memref<128xf32, #tpu.memory_space<vmem>>
      %dma_wait3A_95 = tpu.memref_slice %arg6[%add3A_12] : memref<20480xf32, #tpu.memory_space<hbm>> -> memref<128xf32, #tpu.memory_space<hbm>>
      tpu.wait_dma2 semaphore(%arg15 : memref<!tpu.dma_semaphore, #tpu.memory_space<semaphore_mem>>) src(%dma_wait3A_95 : memref<128xf32, #tpu.memory_space<hbm>>) dst(%dma_wait3A_94 : memref<128xf32, #tpu.memory_space<vmem>>)
      %dma_wait3A_96 = arith.constant 4 : i32
      %dma_wait3A_97 = arith.constant 0 : i32
      %dma_wait3A_98 = tpu.memref_slice %arg14[%dma_wait3A_96, %dma_wait3A_97] : memref<5x128xf32, #tpu.memory_space<vmem>> -> memref<1x128xf32, #tpu.memory_space<vmem>>
      %dma_wait3A_99 = tpu.memref_squeeze %dma_wait3A_98 : memref<1x128xf32, #tpu.memory_space<vmem>> -> memref<128xf32, #tpu.memory_space<vmem>>
      %dma_wait3A_100 = tpu.memref_slice %arg7[%add3A_12] : memref<20480xf32, #tpu.memory_space<hbm>> -> memref<128xf32, #tpu.memory_space<hbm>>
      %dma_wait3A_101 = arith.constant 0 : i32
      %dma_wait3A_102 = tpu.memref_slice %arg14[%dma_wait3A_96, %dma_wait3A_101] : memref<5x128xf32, #tpu.memory_space<vmem>> -> memref<1x128xf32, #tpu.memory_space<vmem>>
      %dma_wait3A_103 = tpu.memref_squeeze %dma_wait3A_102 : memref<1x128xf32, #tpu.memory_space<vmem>> -> memref<128xf32, #tpu.memory_space<vmem>>
      %dma_wait3A_104 = tpu.memref_slice %arg7[%add3A_12] : memref<20480xf32, #tpu.memory_space<hbm>> -> memref<128xf32, #tpu.memory_space<hbm>>
      tpu.wait_dma2 semaphore(%arg15 : memref<!tpu.dma_semaphore, #tpu.memory_space<semaphore_mem>>) src(%dma_wait3A_104 : memref<128xf32, #tpu.memory_space<hbm>>) dst(%dma_wait3A_103 : memref<128xf32, #tpu.memory_space<vmem>>)
      %dma_start3A_105 = arith.constant 0 : i32
      %dma_start3A_106 = arith.constant 0 : i32
      %dma_start3A_107 = tpu.memref_slice %arg14[%dma_start3A_105, %dma_start3A_106] : memref<5x128xf32, #tpu.memory_space<vmem>> -> memref<1x128xf32, #tpu.memory_space<vmem>>
      %dma_start3A_108 = tpu.memref_squeeze %dma_start3A_107 : memref<1x128xf32, #tpu.memory_space<vmem>> -> memref<128xf32, #tpu.memory_space<vmem>>
      %dma_start3A_109 = arith.constant 0 : i32
      %dma_start3A_110 = tpu.memref_slice %arg8[%dma_start3A_109] : memref<20624xf32, #tpu.memory_space<hbm>> -> memref<20624xf32, #tpu.memory_space<hbm>>
      tpu.enqueue_indirect_dma source(%dma_start3A_108 : memref<128xf32, #tpu.memory_space<vmem>>) target(%dma_start3A_110 : memref<20624xf32, #tpu.memory_space<hbm>>) offsets(%arg13 : memref<128xi32, #tpu.memory_space<vmem>>) semaphore(%arg16 : memref<!tpu.dma_semaphore, #tpu.memory_space<semaphore_mem>>)
      %dma_start3A_111 = arith.constant 1 : i32
      %dma_start3A_112 = arith.constant 0 : i32
      %dma_start3A_113 = tpu.memref_slice %arg14[%dma_start3A_111, %dma_start3A_112] : memref<5x128xf32, #tpu.memory_space<vmem>> -> memref<1x128xf32, #tpu.memory_space<vmem>>
      %dma_start3A_114 = tpu.memref_squeeze %dma_start3A_113 : memref<1x128xf32, #tpu.memory_space<vmem>> -> memref<128xf32, #tpu.memory_space<vmem>>
      %dma_start3A_115 = arith.constant 0 : i32
      %dma_start3A_116 = tpu.memref_slice %arg9[%dma_start3A_115] : memref<20624xf32, #tpu.memory_space<hbm>> -> memref<20624xf32, #tpu.memory_space<hbm>>
      tpu.enqueue_indirect_dma source(%dma_start3A_114 : memref<128xf32, #tpu.memory_space<vmem>>) target(%dma_start3A_116 : memref<20624xf32, #tpu.memory_space<hbm>>) offsets(%arg13 : memref<128xi32, #tpu.memory_space<vmem>>) semaphore(%arg16 : memref<!tpu.dma_semaphore, #tpu.memory_space<semaphore_mem>>)
      %dma_start3A_117 = arith.constant 2 : i32
      %dma_start3A_118 = arith.constant 0 : i32
      %dma_start3A_119 = tpu.memref_slice %arg14[%dma_start3A_117, %dma_start3A_118] : memref<5x128xf32, #tpu.memory_space<vmem>> -> memref<1x128xf32, #tpu.memory_space<vmem>>
      %dma_start3A_120 = tpu.memref_squeeze %dma_start3A_119 : memref<1x128xf32, #tpu.memory_space<vmem>> -> memref<128xf32, #tpu.memory_space<vmem>>
      %dma_start3A_121 = arith.constant 0 : i32
      %dma_start3A_122 = tpu.memref_slice %arg10[%dma_start3A_121] : memref<20624xf32, #tpu.memory_space<hbm>> -> memref<20624xf32, #tpu.memory_space<hbm>>
      tpu.enqueue_indirect_dma source(%dma_start3A_120 : memref<128xf32, #tpu.memory_space<vmem>>) target(%dma_start3A_122 : memref<20624xf32, #tpu.memory_space<hbm>>) offsets(%arg13 : memref<128xi32, #tpu.memory_space<vmem>>) semaphore(%arg16 : memref<!tpu.dma_semaphore, #tpu.memory_space<semaphore_mem>>)
      %dma_start3A_123 = arith.constant 3 : i32
      %dma_start3A_124 = arith.constant 0 : i32
      %dma_start3A_125 = tpu.memref_slice %arg14[%dma_start3A_123, %dma_start3A_124] : memref<5x128xf32, #tpu.memory_space<vmem>> -> memref<1x128xf32, #tpu.memory_space<vmem>>
      %dma_start3A_126 = tpu.memref_squeeze %dma_start3A_125 : memref<1x128xf32, #tpu.memory_space<vmem>> -> memref<128xf32, #tpu.memory_space<vmem>>
      %dma_start3A_127 = arith.constant 0 : i32
      %dma_start3A_128 = tpu.memref_slice %arg11[%dma_start3A_127] : memref<20624xf32, #tpu.memory_space<hbm>> -> memref<20624xf32, #tpu.memory_space<hbm>>
      tpu.enqueue_indirect_dma source(%dma_start3A_126 : memref<128xf32, #tpu.memory_space<vmem>>) target(%dma_start3A_128 : memref<20624xf32, #tpu.memory_space<hbm>>) offsets(%arg13 : memref<128xi32, #tpu.memory_space<vmem>>) semaphore(%arg16 : memref<!tpu.dma_semaphore, #tpu.memory_space<semaphore_mem>>)
      %dma_start3A_129 = arith.constant 4 : i32
      %dma_start3A_130 = arith.constant 0 : i32
      %dma_start3A_131 = tpu.memref_slice %arg14[%dma_start3A_129, %dma_start3A_130] : memref<5x128xf32, #tpu.memory_space<vmem>> -> memref<1x128xf32, #tpu.memory_space<vmem>>
      %dma_start3A_132 = tpu.memref_squeeze %dma_start3A_131 : memref<1x128xf32, #tpu.memory_space<vmem>> -> memref<128xf32, #tpu.memory_space<vmem>>
      %dma_start3A_133 = arith.constant 0 : i32
      %dma_start3A_134 = tpu.memref_slice %arg12[%dma_start3A_133] : memref<20624xf32, #tpu.memory_space<hbm>> -> memref<20624xf32, #tpu.memory_space<hbm>>
      tpu.enqueue_indirect_dma source(%dma_start3A_132 : memref<128xf32, #tpu.memory_space<vmem>>) target(%dma_start3A_134 : memref<20624xf32, #tpu.memory_space<hbm>>) offsets(%arg13 : memref<128xi32, #tpu.memory_space<vmem>>) semaphore(%arg16 : memref<!tpu.dma_semaphore, #tpu.memory_space<semaphore_mem>>)
      %dma_wait3A_135 = arith.constant 0 : i32
      %dma_wait3A_136 = arith.constant 0 : i32
      %dma_wait3A_137 = tpu.memref_slice %arg14[%dma_wait3A_135, %dma_wait3A_136] : memref<5x128xf32, #tpu.memory_space<vmem>> -> memref<1x128xf32, #tpu.memory_space<vmem>>
      %dma_wait3A_138 = tpu.memref_squeeze %dma_wait3A_137 : memref<1x128xf32, #tpu.memory_space<vmem>> -> memref<128xf32, #tpu.memory_space<vmem>>
      %dma_wait3A_139 = arith.constant 0 : i32
      %dma_wait3A_140 = tpu.memref_slice %arg8[%dma_wait3A_139] : memref<20624xf32, #tpu.memory_space<hbm>> -> memref<20624xf32, #tpu.memory_space<hbm>>
      tpu.wait_indirect_dma semaphore(%arg16 : memref<!tpu.dma_semaphore, #tpu.memory_space<semaphore_mem>>) src(%dma_wait3A_138 : memref<128xf32, #tpu.memory_space<vmem>>) dst(%dma_wait3A_140 : memref<20624xf32, #tpu.memory_space<hbm>>)
      %dma_wait3A_141 = arith.constant 1 : i32
      %dma_wait3A_142 = arith.constant 0 : i32
      %dma_wait3A_143 = tpu.memref_slice %arg14[%dma_wait3A_141, %dma_wait3A_142] : memref<5x128xf32, #tpu.memory_space<vmem>> -> memref<1x128xf32, #tpu.memory_space<vmem>>
      %dma_wait3A_144 = tpu.memref_squeeze %dma_wait3A_143 : memref<1x128xf32, #tpu.memory_space<vmem>> -> memref<128xf32, #tpu.memory_space<vmem>>
      %dma_wait3A_145 = arith.constant 0 : i32
      %dma_wait3A_146 = tpu.memref_slice %arg9[%dma_wait3A_145] : memref<20624xf32, #tpu.memory_space<hbm>> -> memref<20624xf32, #tpu.memory_space<hbm>>
      tpu.wait_indirect_dma semaphore(%arg16 : memref<!tpu.dma_semaphore, #tpu.memory_space<semaphore_mem>>) src(%dma_wait3A_144 : memref<128xf32, #tpu.memory_space<vmem>>) dst(%dma_wait3A_146 : memref<20624xf32, #tpu.memory_space<hbm>>)
      %dma_wait3A_147 = arith.constant 2 : i32
      %dma_wait3A_148 = arith.constant 0 : i32
      %dma_wait3A_149 = tpu.memref_slice %arg14[%dma_wait3A_147, %dma_wait3A_148] : memref<5x128xf32, #tpu.memory_space<vmem>> -> memref<1x128xf32, #tpu.memory_space<vmem>>
      %dma_wait3A_150 = tpu.memref_squeeze %dma_wait3A_149 : memref<1x128xf32, #tpu.memory_space<vmem>> -> memref<128xf32, #tpu.memory_space<vmem>>
      %dma_wait3A_151 = arith.constant 0 : i32
      %dma_wait3A_152 = tpu.memref_slice %arg10[%dma_wait3A_151] : memref<20624xf32, #tpu.memory_space<hbm>> -> memref<20624xf32, #tpu.memory_space<hbm>>
      tpu.wait_indirect_dma semaphore(%arg16 : memref<!tpu.dma_semaphore, #tpu.memory_space<semaphore_mem>>) src(%dma_wait3A_150 : memref<128xf32, #tpu.memory_space<vmem>>) dst(%dma_wait3A_152 : memref<20624xf32, #tpu.memory_space<hbm>>)
      %dma_wait3A_153 = arith.constant 3 : i32
      %dma_wait3A_154 = arith.constant 0 : i32
      %dma_wait3A_155 = tpu.memref_slice %arg14[%dma_wait3A_153, %dma_wait3A_154] : memref<5x128xf32, #tpu.memory_space<vmem>> -> memref<1x128xf32, #tpu.memory_space<vmem>>
      %dma_wait3A_156 = tpu.memref_squeeze %dma_wait3A_155 : memref<1x128xf32, #tpu.memory_space<vmem>> -> memref<128xf32, #tpu.memory_space<vmem>>
      %dma_wait3A_157 = arith.constant 0 : i32
      %dma_wait3A_158 = tpu.memref_slice %arg11[%dma_wait3A_157] : memref<20624xf32, #tpu.memory_space<hbm>> -> memref<20624xf32, #tpu.memory_space<hbm>>
      tpu.wait_indirect_dma semaphore(%arg16 : memref<!tpu.dma_semaphore, #tpu.memory_space<semaphore_mem>>) src(%dma_wait3A_156 : memref<128xf32, #tpu.memory_space<vmem>>) dst(%dma_wait3A_158 : memref<20624xf32, #tpu.memory_space<hbm>>)
      %dma_wait3A_159 = arith.constant 4 : i32
      %dma_wait3A_160 = arith.constant 0 : i32
      %dma_wait3A_161 = tpu.memref_slice %arg14[%dma_wait3A_159, %dma_wait3A_160] : memref<5x128xf32, #tpu.memory_space<vmem>> -> memref<1x128xf32, #tpu.memory_space<vmem>>
      %dma_wait3A_162 = tpu.memref_squeeze %dma_wait3A_161 : memref<1x128xf32, #tpu.memory_space<vmem>> -> memref<128xf32, #tpu.memory_space<vmem>>
      %dma_wait3A_163 = arith.constant 0 : i32
      %dma_wait3A_164 = tpu.memref_slice %arg12[%dma_wait3A_163] : memref<20624xf32, #tpu.memory_space<hbm>> -> memref<20624xf32, #tpu.memory_space<hbm>>
      tpu.wait_indirect_dma semaphore(%arg16 : memref<!tpu.dma_semaphore, #tpu.memory_space<semaphore_mem>>) src(%dma_wait3A_162 : memref<128xf32, #tpu.memory_space<vmem>>) dst(%dma_wait3A_164 : memref<20624xf32, #tpu.memory_space<hbm>>)
    }
    %scan3A_6 = arith.constant 5 : i32
    return
  }
}

module attributes {stable_mosaic.version = 14 : i64} {
  func.func @_prep_body(%arg0: memref<160x128xf32, #tpu.memory_space<vmem>>, %arg1: memref<160x128xf32, #tpu.memory_space<vmem>>, %arg2: memref<160x128xf32, #tpu.memory_space<vmem>>, %arg3: memref<160x128xf32, #tpu.memory_space<vmem>>, %arg4: memref<160x128xf32, #tpu.memory_space<vmem>>, %arg5: memref<160x128xf32, #tpu.memory_space<vmem>>, %arg6: memref<160x128xf32, #tpu.memory_space<vmem>>, %arg7: memref<160x128xf32, #tpu.memory_space<vmem>>, %arg8: memref<160x128xf32, #tpu.memory_space<vmem>>, %arg9: memref<160x128xi32, #tpu.memory_space<vmem>>) attributes {dimension_semantics = [], scalar_prefetch = 0 : i64, scratch_operands = 0 : i64, tpu.core_type = #tpu.core_type<tc>} {
    %iota3A = tpu.iota {dimensions = array<i32: 0>} : vector<160x128xi32>
    %iota3A_0 = tpu.iota {dimensions = array<i32: 1>} : vector<160x128xi32>
    %mul3A = arith.constant 128 : i32
    %mul3A_1 = vector.broadcast %mul3A : i32 to vector<160x128xi32>
    %mul3A_2 = arith.muli %iota3A, %mul3A_1 : vector<160x128xi32>
    %add3A = arith.addi %mul3A_2, %iota3A_0 : vector<160x128xi32>
    %lt3A = arith.constant 20000 : i32
    %lt3A_3 = vector.broadcast %lt3A : i32 to vector<160x128xi32>
    %lt3A_4 = arith.cmpi slt, %add3A, %lt3A_3 : vector<160x128xi32>
    %get3A = arith.constant 0 : index
    %get3A_5 = arith.constant 0 : index
    %get3A_6 = vector.load %arg0[%get3A, %get3A_5] : memref<160x128xf32, #tpu.memory_space<vmem>>, vector<160x128xf32>
    %mul3A_7 = arith.constant 1.000000e+03 : f32
    %mul3A_8 = vector.broadcast %mul3A_7 : f32 to vector<160x128xf32>
    %mul3A_9 = arith.mulf %get3A_6, %mul3A_8 : vector<160x128xf32>
    %get3A_10 = arith.constant 0 : index
    %get3A_11 = arith.constant 0 : index
    %get3A_12 = vector.load %arg1[%get3A_10, %get3A_11] : memref<160x128xf32, #tpu.memory_space<vmem>>, vector<160x128xf32>
    %mul3A_13 = arith.constant 1.000000e+03 : f32
    %mul3A_14 = vector.broadcast %mul3A_13 : f32 to vector<160x128xf32>
    %mul3A_15 = arith.mulf %get3A_12, %mul3A_14 : vector<160x128xf32>
    %get3A_16 = arith.constant 0 : index
    %get3A_17 = arith.constant 0 : index
    %get3A_18 = vector.load %arg2[%get3A_16, %get3A_17] : memref<160x128xf32, #tpu.memory_space<vmem>>, vector<160x128xf32>
    %mul3A_19 = arith.constant 1.000000e+03 : f32
    %mul3A_20 = vector.broadcast %mul3A_19 : f32 to vector<160x128xf32>
    %mul3A_21 = arith.mulf %get3A_18, %mul3A_20 : vector<160x128xf32>
    %get3A_22 = arith.constant 0 : index
    %get3A_23 = arith.constant 0 : index
    %get3A_24 = vector.load %arg3[%get3A_22, %get3A_23] : memref<160x128xf32, #tpu.memory_space<vmem>>, vector<160x128xf32>
    %mul3A_25 = arith.constant 1.000000e+03 : f32
    %mul3A_26 = vector.broadcast %mul3A_25 : f32 to vector<160x128xf32>
    %mul3A_27 = arith.mulf %get3A_24, %mul3A_26 : vector<160x128xf32>
    %min3A = arith.minimumf %mul3A_9, %mul3A_21 : vector<160x128xf32>
    %max3A = arith.maximumf %mul3A_9, %mul3A_21 : vector<160x128xf32>
    %min3A_28 = arith.minimumf %mul3A_15, %mul3A_27 : vector<160x128xf32>
    %max3A_29 = arith.maximumf %mul3A_15, %mul3A_27 : vector<160x128xf32>
    %get3A_30 = arith.constant 0 : index
    %get3A_31 = arith.constant 0 : index
    %get3A_32 = vector.load %arg4[%get3A_30, %get3A_31] : memref<160x128xf32, #tpu.memory_space<vmem>>, vector<160x128xf32>
    %bitcast_convert_type3A = tpu.bitcast %get3A_32 : vector<160x128xf32> -> vector<160x128xi32>
    %shift_right_arithmetic3A = arith.constant 31 : i32
    %shift_right_arithmetic3A_33 = vector.broadcast %shift_right_arithmetic3A : i32 to vector<160x128xi32>
    %shift_right_arithmetic3A_34 = arith.shrsi %bitcast_convert_type3A, %shift_right_arithmetic3A_33 : vector<160x128xi32>
    %and3A = arith.constant 2147483647 : i32
    %and3A_35 = vector.broadcast %and3A : i32 to vector<160x128xi32>
    %and3A_36 = arith.andi %shift_right_arithmetic3A_34, %and3A_35 : vector<160x128xi32>
    %xor3A = arith.xori %bitcast_convert_type3A, %and3A_36 : vector<160x128xi32>
    %jit3A = arith.constant -2147483648 : i32
    %broadcast_in_dim3A = vector.broadcast %jit3A : i32 to vector<160x128xi32>
    %select_n3A = arith.select %lt3A_4, %xor3A, %broadcast_in_dim3A : vector<160x128xi1>, vector<160x128xi32>
    %sub3A = arith.constant 20480 : i32
    %sub3A_37 = vector.broadcast %sub3A : i32 to vector<160x128xi32>
    %sub3A_38 = arith.subi %sub3A_37, %add3A : vector<160x128xi32>
    %xor3A_39 = arith.constant -2147483648 : i32
    %xor3A_40 = arith.constant -2147483648 : i32
    %xor3A_41 = arith.xori %xor3A_39, %xor3A_40 : i32
    %ge3A = vector.broadcast %xor3A_41 : i32 to vector<160x128xi32>
    %ge3A_42 = arith.cmpi sge, %select_n3A, %ge3A : vector<160x128xi32>
    %convert_element_type3A = arith.extui %ge3A_42 : vector<160x128xi1> to vector<160x128xi32>
    %reduce_sum3A = vector.shape_cast %convert_element_type3A : vector<160x128xi32> to vector<1x160x128xi32>
    %reduce_sum3A_43 = arith.constant dense<0> : vector<1xi32>
    %reduce_sum3A_44 = vector.multi_reduction <add>, %reduce_sum3A, %reduce_sum3A_43 [1, 2] : vector<1x160x128xi32> to vector<1xi32>
    %reduce_sum3A_45 = vector.shape_cast %reduce_sum3A_44 : vector<1xi32> to vector<1x1x1xi32>
    %reduce_sum3A_46 = vector.extract %reduce_sum3A_45[0, 0, 0] : i32 from vector<1x1x1xi32>
    %ge3A_47 = arith.constant 6000 : i32
    %ge3A_48 = arith.cmpi sge, %reduce_sum3A_46, %ge3A_47 : i32
    %jit3A_49 = arith.constant -2147483648 : i32
    %select_n3A_50 = arith.select %ge3A_48, %xor3A_41, %jit3A_49 : i32
    %or3A = arith.constant 1073741824 : i32
    %or3A_51 = arith.ori %select_n3A_50, %or3A : i32
    %ge3A_52 = vector.broadcast %or3A_51 : i32 to vector<160x128xi32>
    %ge3A_53 = arith.cmpi sge, %select_n3A, %ge3A_52 : vector<160x128xi32>
    %convert_element_type3A_54 = arith.extui %ge3A_53 : vector<160x128xi1> to vector<160x128xi32>
    %reduce_sum3A_55 = vector.shape_cast %convert_element_type3A_54 : vector<160x128xi32> to vector<1x160x128xi32>
    %reduce_sum3A_56 = arith.constant dense<0> : vector<1xi32>
    %reduce_sum3A_57 = vector.multi_reduction <add>, %reduce_sum3A_55, %reduce_sum3A_56 [1, 2] : vector<1x160x128xi32> to vector<1xi32>
    %reduce_sum3A_58 = vector.shape_cast %reduce_sum3A_57 : vector<1xi32> to vector<1x1x1xi32>
    %reduce_sum3A_59 = vector.extract %reduce_sum3A_58[0, 0, 0] : i32 from vector<1x1x1xi32>
    %ge3A_60 = arith.constant 6000 : i32
    %ge3A_61 = arith.cmpi sge, %reduce_sum3A_59, %ge3A_60 : i32
    %select_n3A_62 = arith.select %ge3A_61, %or3A_51, %select_n3A_50 : i32
    %or3A_63 = arith.constant 536870912 : i32
    %or3A_64 = arith.ori %select_n3A_62, %or3A_63 : i32
    %ge3A_65 = vector.broadcast %or3A_64 : i32 to vector<160x128xi32>
    %ge3A_66 = arith.cmpi sge, %select_n3A, %ge3A_65 : vector<160x128xi32>
    %convert_element_type3A_67 = arith.extui %ge3A_66 : vector<160x128xi1> to vector<160x128xi32>
    %reduce_sum3A_68 = vector.shape_cast %convert_element_type3A_67 : vector<160x128xi32> to vector<1x160x128xi32>
    %reduce_sum3A_69 = arith.constant dense<0> : vector<1xi32>
    %reduce_sum3A_70 = vector.multi_reduction <add>, %reduce_sum3A_68, %reduce_sum3A_69 [1, 2] : vector<1x160x128xi32> to vector<1xi32>
    %reduce_sum3A_71 = vector.shape_cast %reduce_sum3A_70 : vector<1xi32> to vector<1x1x1xi32>
    %reduce_sum3A_72 = vector.extract %reduce_sum3A_71[0, 0, 0] : i32 from vector<1x1x1xi32>
    %ge3A_73 = arith.constant 6000 : i32
    %ge3A_74 = arith.cmpi sge, %reduce_sum3A_72, %ge3A_73 : i32
    %select_n3A_75 = arith.select %ge3A_74, %or3A_64, %select_n3A_62 : i32
    %or3A_76 = arith.constant 268435456 : i32
    %or3A_77 = arith.ori %select_n3A_75, %or3A_76 : i32
    %ge3A_78 = vector.broadcast %or3A_77 : i32 to vector<160x128xi32>
    %ge3A_79 = arith.cmpi sge, %select_n3A, %ge3A_78 : vector<160x128xi32>
    %convert_element_type3A_80 = arith.extui %ge3A_79 : vector<160x128xi1> to vector<160x128xi32>
    %reduce_sum3A_81 = vector.shape_cast %convert_element_type3A_80 : vector<160x128xi32> to vector<1x160x128xi32>
    %reduce_sum3A_82 = arith.constant dense<0> : vector<1xi32>
    %reduce_sum3A_83 = vector.multi_reduction <add>, %reduce_sum3A_81, %reduce_sum3A_82 [1, 2] : vector<1x160x128xi32> to vector<1xi32>
    %reduce_sum3A_84 = vector.shape_cast %reduce_sum3A_83 : vector<1xi32> to vector<1x1x1xi32>
    %reduce_sum3A_85 = vector.extract %reduce_sum3A_84[0, 0, 0] : i32 from vector<1x1x1xi32>
    %ge3A_86 = arith.constant 6000 : i32
    %ge3A_87 = arith.cmpi sge, %reduce_sum3A_85, %ge3A_86 : i32
    %select_n3A_88 = arith.select %ge3A_87, %or3A_77, %select_n3A_75 : i32
    %or3A_89 = arith.constant 134217728 : i32
    %or3A_90 = arith.ori %select_n3A_88, %or3A_89 : i32
    %ge3A_91 = vector.broadcast %or3A_90 : i32 to vector<160x128xi32>
    %ge3A_92 = arith.cmpi sge, %select_n3A, %ge3A_91 : vector<160x128xi32>
    %convert_element_type3A_93 = arith.extui %ge3A_92 : vector<160x128xi1> to vector<160x128xi32>
    %reduce_sum3A_94 = vector.shape_cast %convert_element_type3A_93 : vector<160x128xi32> to vector<1x160x128xi32>
    %reduce_sum3A_95 = arith.constant dense<0> : vector<1xi32>
    %reduce_sum3A_96 = vector.multi_reduction <add>, %reduce_sum3A_94, %reduce_sum3A_95 [1, 2] : vector<1x160x128xi32> to vector<1xi32>
    %reduce_sum3A_97 = vector.shape_cast %reduce_sum3A_96 : vector<1xi32> to vector<1x1x1xi32>
    %reduce_sum3A_98 = vector.extract %reduce_sum3A_97[0, 0, 0] : i32 from vector<1x1x1xi32>
    %ge3A_99 = arith.constant 6000 : i32
    %ge3A_100 = arith.cmpi sge, %reduce_sum3A_98, %ge3A_99 : i32
    %select_n3A_101 = arith.select %ge3A_100, %or3A_90, %select_n3A_88 : i32
    %or3A_102 = arith.constant 67108864 : i32
    %or3A_103 = arith.ori %select_n3A_101, %or3A_102 : i32
    %ge3A_104 = vector.broadcast %or3A_103 : i32 to vector<160x128xi32>
    %ge3A_105 = arith.cmpi sge, %select_n3A, %ge3A_104 : vector<160x128xi32>
    %convert_element_type3A_106 = arith.extui %ge3A_105 : vector<160x128xi1> to vector<160x128xi32>
    %reduce_sum3A_107 = vector.shape_cast %convert_element_type3A_106 : vector<160x128xi32> to vector<1x160x128xi32>
    %reduce_sum3A_108 = arith.constant dense<0> : vector<1xi32>
    %reduce_sum3A_109 = vector.multi_reduction <add>, %reduce_sum3A_107, %reduce_sum3A_108 [1, 2] : vector<1x160x128xi32> to vector<1xi32>
    %reduce_sum3A_110 = vector.shape_cast %reduce_sum3A_109 : vector<1xi32> to vector<1x1x1xi32>
    %reduce_sum3A_111 = vector.extract %reduce_sum3A_110[0, 0, 0] : i32 from vector<1x1x1xi32>
    %ge3A_112 = arith.constant 6000 : i32
    %ge3A_113 = arith.cmpi sge, %reduce_sum3A_111, %ge3A_112 : i32
    %select_n3A_114 = arith.select %ge3A_113, %or3A_103, %select_n3A_101 : i32
    %or3A_115 = arith.constant 33554432 : i32
    %or3A_116 = arith.ori %select_n3A_114, %or3A_115 : i32
    %ge3A_117 = vector.broadcast %or3A_116 : i32 to vector<160x128xi32>
    %ge3A_118 = arith.cmpi sge, %select_n3A, %ge3A_117 : vector<160x128xi32>
    %convert_element_type3A_119 = arith.extui %ge3A_118 : vector<160x128xi1> to vector<160x128xi32>
    %reduce_sum3A_120 = vector.shape_cast %convert_element_type3A_119 : vector<160x128xi32> to vector<1x160x128xi32>
    %reduce_sum3A_121 = arith.constant dense<0> : vector<1xi32>
    %reduce_sum3A_122 = vector.multi_reduction <add>, %reduce_sum3A_120, %reduce_sum3A_121 [1, 2] : vector<1x160x128xi32> to vector<1xi32>
    %reduce_sum3A_123 = vector.shape_cast %reduce_sum3A_122 : vector<1xi32> to vector<1x1x1xi32>
    %reduce_sum3A_124 = vector.extract %reduce_sum3A_123[0, 0, 0] : i32 from vector<1x1x1xi32>
    %ge3A_125 = arith.constant 6000 : i32
    %ge3A_126 = arith.cmpi sge, %reduce_sum3A_124, %ge3A_125 : i32
    %select_n3A_127 = arith.select %ge3A_126, %or3A_116, %select_n3A_114 : i32
    %or3A_128 = arith.constant 16777216 : i32
    %or3A_129 = arith.ori %select_n3A_127, %or3A_128 : i32
    %ge3A_130 = vector.broadcast %or3A_129 : i32 to vector<160x128xi32>
    %ge3A_131 = arith.cmpi sge, %select_n3A, %ge3A_130 : vector<160x128xi32>
    %convert_element_type3A_132 = arith.extui %ge3A_131 : vector<160x128xi1> to vector<160x128xi32>
    %reduce_sum3A_133 = vector.shape_cast %convert_element_type3A_132 : vector<160x128xi32> to vector<1x160x128xi32>
    %reduce_sum3A_134 = arith.constant dense<0> : vector<1xi32>
    %reduce_sum3A_135 = vector.multi_reduction <add>, %reduce_sum3A_133, %reduce_sum3A_134 [1, 2] : vector<1x160x128xi32> to vector<1xi32>
    %reduce_sum3A_136 = vector.shape_cast %reduce_sum3A_135 : vector<1xi32> to vector<1x1x1xi32>
    %reduce_sum3A_137 = vector.extract %reduce_sum3A_136[0, 0, 0] : i32 from vector<1x1x1xi32>
    %ge3A_138 = arith.constant 6000 : i32
    %ge3A_139 = arith.cmpi sge, %reduce_sum3A_137, %ge3A_138 : i32
    %select_n3A_140 = arith.select %ge3A_139, %or3A_129, %select_n3A_127 : i32
    %or3A_141 = arith.constant 8388608 : i32
    %or3A_142 = arith.ori %select_n3A_140, %or3A_141 : i32
    %ge3A_143 = vector.broadcast %or3A_142 : i32 to vector<160x128xi32>
    %ge3A_144 = arith.cmpi sge, %select_n3A, %ge3A_143 : vector<160x128xi32>
    %convert_element_type3A_145 = arith.extui %ge3A_144 : vector<160x128xi1> to vector<160x128xi32>
    %reduce_sum3A_146 = vector.shape_cast %convert_element_type3A_145 : vector<160x128xi32> to vector<1x160x128xi32>
    %reduce_sum3A_147 = arith.constant dense<0> : vector<1xi32>
    %reduce_sum3A_148 = vector.multi_reduction <add>, %reduce_sum3A_146, %reduce_sum3A_147 [1, 2] : vector<1x160x128xi32> to vector<1xi32>
    %reduce_sum3A_149 = vector.shape_cast %reduce_sum3A_148 : vector<1xi32> to vector<1x1x1xi32>
    %reduce_sum3A_150 = vector.extract %reduce_sum3A_149[0, 0, 0] : i32 from vector<1x1x1xi32>
    %ge3A_151 = arith.constant 6000 : i32
    %ge3A_152 = arith.cmpi sge, %reduce_sum3A_150, %ge3A_151 : i32
    %select_n3A_153 = arith.select %ge3A_152, %or3A_142, %select_n3A_140 : i32
    %or3A_154 = arith.constant 4194304 : i32
    %or3A_155 = arith.ori %select_n3A_153, %or3A_154 : i32
    %ge3A_156 = vector.broadcast %or3A_155 : i32 to vector<160x128xi32>
    %ge3A_157 = arith.cmpi sge, %select_n3A, %ge3A_156 : vector<160x128xi32>
    %convert_element_type3A_158 = arith.extui %ge3A_157 : vector<160x128xi1> to vector<160x128xi32>
    %reduce_sum3A_159 = vector.shape_cast %convert_element_type3A_158 : vector<160x128xi32> to vector<1x160x128xi32>
    %reduce_sum3A_160 = arith.constant dense<0> : vector<1xi32>
    %reduce_sum3A_161 = vector.multi_reduction <add>, %reduce_sum3A_159, %reduce_sum3A_160 [1, 2] : vector<1x160x128xi32> to vector<1xi32>
    %reduce_sum3A_162 = vector.shape_cast %reduce_sum3A_161 : vector<1xi32> to vector<1x1x1xi32>
    %reduce_sum3A_163 = vector.extract %reduce_sum3A_162[0, 0, 0] : i32 from vector<1x1x1xi32>
    %ge3A_164 = arith.constant 6000 : i32
    %ge3A_165 = arith.cmpi sge, %reduce_sum3A_163, %ge3A_164 : i32
    %select_n3A_166 = arith.select %ge3A_165, %or3A_155, %select_n3A_153 : i32
    %or3A_167 = arith.constant 2097152 : i32
    %or3A_168 = arith.ori %select_n3A_166, %or3A_167 : i32
    %ge3A_169 = vector.broadcast %or3A_168 : i32 to vector<160x128xi32>
    %ge3A_170 = arith.cmpi sge, %select_n3A, %ge3A_169 : vector<160x128xi32>
    %convert_element_type3A_171 = arith.extui %ge3A_170 : vector<160x128xi1> to vector<160x128xi32>
    %reduce_sum3A_172 = vector.shape_cast %convert_element_type3A_171 : vector<160x128xi32> to vector<1x160x128xi32>
    %reduce_sum3A_173 = arith.constant dense<0> : vector<1xi32>
    %reduce_sum3A_174 = vector.multi_reduction <add>, %reduce_sum3A_172, %reduce_sum3A_173 [1, 2] : vector<1x160x128xi32> to vector<1xi32>
    %reduce_sum3A_175 = vector.shape_cast %reduce_sum3A_174 : vector<1xi32> to vector<1x1x1xi32>
    %reduce_sum3A_176 = vector.extract %reduce_sum3A_175[0, 0, 0] : i32 from vector<1x1x1xi32>
    %ge3A_177 = arith.constant 6000 : i32
    %ge3A_178 = arith.cmpi sge, %reduce_sum3A_176, %ge3A_177 : i32
    %select_n3A_179 = arith.select %ge3A_178, %or3A_168, %select_n3A_166 : i32
    %or3A_180 = arith.constant 1048576 : i32
    %or3A_181 = arith.ori %select_n3A_179, %or3A_180 : i32
    %ge3A_182 = vector.broadcast %or3A_181 : i32 to vector<160x128xi32>
    %ge3A_183 = arith.cmpi sge, %select_n3A, %ge3A_182 : vector<160x128xi32>
    %convert_element_type3A_184 = arith.extui %ge3A_183 : vector<160x128xi1> to vector<160x128xi32>
    %reduce_sum3A_185 = vector.shape_cast %convert_element_type3A_184 : vector<160x128xi32> to vector<1x160x128xi32>
    %reduce_sum3A_186 = arith.constant dense<0> : vector<1xi32>
    %reduce_sum3A_187 = vector.multi_reduction <add>, %reduce_sum3A_185, %reduce_sum3A_186 [1, 2] : vector<1x160x128xi32> to vector<1xi32>
    %reduce_sum3A_188 = vector.shape_cast %reduce_sum3A_187 : vector<1xi32> to vector<1x1x1xi32>
    %reduce_sum3A_189 = vector.extract %reduce_sum3A_188[0, 0, 0] : i32 from vector<1x1x1xi32>
    %ge3A_190 = arith.constant 6000 : i32
    %ge3A_191 = arith.cmpi sge, %reduce_sum3A_189, %ge3A_190 : i32
    %select_n3A_192 = arith.select %ge3A_191, %or3A_181, %select_n3A_179 : i32
    %or3A_193 = arith.constant 524288 : i32
    %or3A_194 = arith.ori %select_n3A_192, %or3A_193 : i32
    %ge3A_195 = vector.broadcast %or3A_194 : i32 to vector<160x128xi32>
    %ge3A_196 = arith.cmpi sge, %select_n3A, %ge3A_195 : vector<160x128xi32>
    %convert_element_type3A_197 = arith.extui %ge3A_196 : vector<160x128xi1> to vector<160x128xi32>
    %reduce_sum3A_198 = vector.shape_cast %convert_element_type3A_197 : vector<160x128xi32> to vector<1x160x128xi32>
    %reduce_sum3A_199 = arith.constant dense<0> : vector<1xi32>
    %reduce_sum3A_200 = vector.multi_reduction <add>, %reduce_sum3A_198, %reduce_sum3A_199 [1, 2] : vector<1x160x128xi32> to vector<1xi32>
    %reduce_sum3A_201 = vector.shape_cast %reduce_sum3A_200 : vector<1xi32> to vector<1x1x1xi32>
    %reduce_sum3A_202 = vector.extract %reduce_sum3A_201[0, 0, 0] : i32 from vector<1x1x1xi32>
    %ge3A_203 = arith.constant 6000 : i32
    %ge3A_204 = arith.cmpi sge, %reduce_sum3A_202, %ge3A_203 : i32
    %select_n3A_205 = arith.select %ge3A_204, %or3A_194, %select_n3A_192 : i32
    %or3A_206 = arith.constant 262144 : i32
    %or3A_207 = arith.ori %select_n3A_205, %or3A_206 : i32
    %ge3A_208 = vector.broadcast %or3A_207 : i32 to vector<160x128xi32>
    %ge3A_209 = arith.cmpi sge, %select_n3A, %ge3A_208 : vector<160x128xi32>
    %convert_element_type3A_210 = arith.extui %ge3A_209 : vector<160x128xi1> to vector<160x128xi32>
    %reduce_sum3A_211 = vector.shape_cast %convert_element_type3A_210 : vector<160x128xi32> to vector<1x160x128xi32>
    %reduce_sum3A_212 = arith.constant dense<0> : vector<1xi32>
    %reduce_sum3A_213 = vector.multi_reduction <add>, %reduce_sum3A_211, %reduce_sum3A_212 [1, 2] : vector<1x160x128xi32> to vector<1xi32>
    %reduce_sum3A_214 = vector.shape_cast %reduce_sum3A_213 : vector<1xi32> to vector<1x1x1xi32>
    %reduce_sum3A_215 = vector.extract %reduce_sum3A_214[0, 0, 0] : i32 from vector<1x1x1xi32>
    %ge3A_216 = arith.constant 6000 : i32
    %ge3A_217 = arith.cmpi sge, %reduce_sum3A_215, %ge3A_216 : i32
    %select_n3A_218 = arith.select %ge3A_217, %or3A_207, %select_n3A_205 : i32
    %or3A_219 = arith.constant 131072 : i32
    %or3A_220 = arith.ori %select_n3A_218, %or3A_219 : i32
    %ge3A_221 = vector.broadcast %or3A_220 : i32 to vector<160x128xi32>
    %ge3A_222 = arith.cmpi sge, %select_n3A, %ge3A_221 : vector<160x128xi32>
    %convert_element_type3A_223 = arith.extui %ge3A_222 : vector<160x128xi1> to vector<160x128xi32>
    %reduce_sum3A_224 = vector.shape_cast %convert_element_type3A_223 : vector<160x128xi32> to vector<1x160x128xi32>
    %reduce_sum3A_225 = arith.constant dense<0> : vector<1xi32>
    %reduce_sum3A_226 = vector.multi_reduction <add>, %reduce_sum3A_224, %reduce_sum3A_225 [1, 2] : vector<1x160x128xi32> to vector<1xi32>
    %reduce_sum3A_227 = vector.shape_cast %reduce_sum3A_226 : vector<1xi32> to vector<1x1x1xi32>
    %reduce_sum3A_228 = vector.extract %reduce_sum3A_227[0, 0, 0] : i32 from vector<1x1x1xi32>
    %ge3A_229 = arith.constant 6000 : i32
    %ge3A_230 = arith.cmpi sge, %reduce_sum3A_228, %ge3A_229 : i32
    %select_n3A_231 = arith.select %ge3A_230, %or3A_220, %select_n3A_218 : i32
    %or3A_232 = arith.constant 65536 : i32
    %or3A_233 = arith.ori %select_n3A_231, %or3A_232 : i32
    %ge3A_234 = vector.broadcast %or3A_233 : i32 to vector<160x128xi32>
    %ge3A_235 = arith.cmpi sge, %select_n3A, %ge3A_234 : vector<160x128xi32>
    %convert_element_type3A_236 = arith.extui %ge3A_235 : vector<160x128xi1> to vector<160x128xi32>
    %reduce_sum3A_237 = vector.shape_cast %convert_element_type3A_236 : vector<160x128xi32> to vector<1x160x128xi32>
    %reduce_sum3A_238 = arith.constant dense<0> : vector<1xi32>
    %reduce_sum3A_239 = vector.multi_reduction <add>, %reduce_sum3A_237, %reduce_sum3A_238 [1, 2] : vector<1x160x128xi32> to vector<1xi32>
    %reduce_sum3A_240 = vector.shape_cast %reduce_sum3A_239 : vector<1xi32> to vector<1x1x1xi32>
    %reduce_sum3A_241 = vector.extract %reduce_sum3A_240[0, 0, 0] : i32 from vector<1x1x1xi32>
    %ge3A_242 = arith.constant 6000 : i32
    %ge3A_243 = arith.cmpi sge, %reduce_sum3A_241, %ge3A_242 : i32
    %select_n3A_244 = arith.select %ge3A_243, %or3A_233, %select_n3A_231 : i32
    %or3A_245 = arith.constant 32768 : i32
    %or3A_246 = arith.ori %select_n3A_244, %or3A_245 : i32
    %ge3A_247 = vector.broadcast %or3A_246 : i32 to vector<160x128xi32>
    %ge3A_248 = arith.cmpi sge, %select_n3A, %ge3A_247 : vector<160x128xi32>
    %convert_element_type3A_249 = arith.extui %ge3A_248 : vector<160x128xi1> to vector<160x128xi32>
    %reduce_sum3A_250 = vector.shape_cast %convert_element_type3A_249 : vector<160x128xi32> to vector<1x160x128xi32>
    %reduce_sum3A_251 = arith.constant dense<0> : vector<1xi32>
    %reduce_sum3A_252 = vector.multi_reduction <add>, %reduce_sum3A_250, %reduce_sum3A_251 [1, 2] : vector<1x160x128xi32> to vector<1xi32>
    %reduce_sum3A_253 = vector.shape_cast %reduce_sum3A_252 : vector<1xi32> to vector<1x1x1xi32>
    %reduce_sum3A_254 = vector.extract %reduce_sum3A_253[0, 0, 0] : i32 from vector<1x1x1xi32>
    %ge3A_255 = arith.constant 6000 : i32
    %ge3A_256 = arith.cmpi sge, %reduce_sum3A_254, %ge3A_255 : i32
    %select_n3A_257 = arith.select %ge3A_256, %or3A_246, %select_n3A_244 : i32
    %or3A_258 = arith.constant 16384 : i32
    %or3A_259 = arith.ori %select_n3A_257, %or3A_258 : i32
    %ge3A_260 = vector.broadcast %or3A_259 : i32 to vector<160x128xi32>
    %ge3A_261 = arith.cmpi sge, %select_n3A, %ge3A_260 : vector<160x128xi32>
    %convert_element_type3A_262 = arith.extui %ge3A_261 : vector<160x128xi1> to vector<160x128xi32>
    %reduce_sum3A_263 = vector.shape_cast %convert_element_type3A_262 : vector<160x128xi32> to vector<1x160x128xi32>
    %reduce_sum3A_264 = arith.constant dense<0> : vector<1xi32>
    %reduce_sum3A_265 = vector.multi_reduction <add>, %reduce_sum3A_263, %reduce_sum3A_264 [1, 2] : vector<1x160x128xi32> to vector<1xi32>
    %reduce_sum3A_266 = vector.shape_cast %reduce_sum3A_265 : vector<1xi32> to vector<1x1x1xi32>
    %reduce_sum3A_267 = vector.extract %reduce_sum3A_266[0, 0, 0] : i32 from vector<1x1x1xi32>
    %ge3A_268 = arith.constant 6000 : i32
    %ge3A_269 = arith.cmpi sge, %reduce_sum3A_267, %ge3A_268 : i32
    %select_n3A_270 = arith.select %ge3A_269, %or3A_259, %select_n3A_257 : i32
    %or3A_271 = arith.constant 8192 : i32
    %or3A_272 = arith.ori %select_n3A_270, %or3A_271 : i32
    %ge3A_273 = vector.broadcast %or3A_272 : i32 to vector<160x128xi32>
    %ge3A_274 = arith.cmpi sge, %select_n3A, %ge3A_273 : vector<160x128xi32>
    %convert_element_type3A_275 = arith.extui %ge3A_274 : vector<160x128xi1> to vector<160x128xi32>
    %reduce_sum3A_276 = vector.shape_cast %convert_element_type3A_275 : vector<160x128xi32> to vector<1x160x128xi32>
    %reduce_sum3A_277 = arith.constant dense<0> : vector<1xi32>
    %reduce_sum3A_278 = vector.multi_reduction <add>, %reduce_sum3A_276, %reduce_sum3A_277 [1, 2] : vector<1x160x128xi32> to vector<1xi32>
    %reduce_sum3A_279 = vector.shape_cast %reduce_sum3A_278 : vector<1xi32> to vector<1x1x1xi32>
    %reduce_sum3A_280 = vector.extract %reduce_sum3A_279[0, 0, 0] : i32 from vector<1x1x1xi32>
    %ge3A_281 = arith.constant 6000 : i32
    %ge3A_282 = arith.cmpi sge, %reduce_sum3A_280, %ge3A_281 : i32
    %select_n3A_283 = arith.select %ge3A_282, %or3A_272, %select_n3A_270 : i32
    %or3A_284 = arith.constant 4096 : i32
    %or3A_285 = arith.ori %select_n3A_283, %or3A_284 : i32
    %ge3A_286 = vector.broadcast %or3A_285 : i32 to vector<160x128xi32>
    %ge3A_287 = arith.cmpi sge, %select_n3A, %ge3A_286 : vector<160x128xi32>
    %convert_element_type3A_288 = arith.extui %ge3A_287 : vector<160x128xi1> to vector<160x128xi32>
    %reduce_sum3A_289 = vector.shape_cast %convert_element_type3A_288 : vector<160x128xi32> to vector<1x160x128xi32>
    %reduce_sum3A_290 = arith.constant dense<0> : vector<1xi32>
    %reduce_sum3A_291 = vector.multi_reduction <add>, %reduce_sum3A_289, %reduce_sum3A_290 [1, 2] : vector<1x160x128xi32> to vector<1xi32>
    %reduce_sum3A_292 = vector.shape_cast %reduce_sum3A_291 : vector<1xi32> to vector<1x1x1xi32>
    %reduce_sum3A_293 = vector.extract %reduce_sum3A_292[0, 0, 0] : i32 from vector<1x1x1xi32>
    %ge3A_294 = arith.constant 6000 : i32
    %ge3A_295 = arith.cmpi sge, %reduce_sum3A_293, %ge3A_294 : i32
    %select_n3A_296 = arith.select %ge3A_295, %or3A_285, %select_n3A_283 : i32
    %or3A_297 = arith.constant 2048 : i32
    %or3A_298 = arith.ori %select_n3A_296, %or3A_297 : i32
    %ge3A_299 = vector.broadcast %or3A_298 : i32 to vector<160x128xi32>
    %ge3A_300 = arith.cmpi sge, %select_n3A, %ge3A_299 : vector<160x128xi32>
    %convert_element_type3A_301 = arith.extui %ge3A_300 : vector<160x128xi1> to vector<160x128xi32>
    %reduce_sum3A_302 = vector.shape_cast %convert_element_type3A_301 : vector<160x128xi32> to vector<1x160x128xi32>
    %reduce_sum3A_303 = arith.constant dense<0> : vector<1xi32>
    %reduce_sum3A_304 = vector.multi_reduction <add>, %reduce_sum3A_302, %reduce_sum3A_303 [1, 2] : vector<1x160x128xi32> to vector<1xi32>
    %reduce_sum3A_305 = vector.shape_cast %reduce_sum3A_304 : vector<1xi32> to vector<1x1x1xi32>
    %reduce_sum3A_306 = vector.extract %reduce_sum3A_305[0, 0, 0] : i32 from vector<1x1x1xi32>
    %ge3A_307 = arith.constant 6000 : i32
    %ge3A_308 = arith.cmpi sge, %reduce_sum3A_306, %ge3A_307 : i32
    %select_n3A_309 = arith.select %ge3A_308, %or3A_298, %select_n3A_296 : i32
    %or3A_310 = arith.constant 1024 : i32
    %or3A_311 = arith.ori %select_n3A_309, %or3A_310 : i32
    %ge3A_312 = vector.broadcast %or3A_311 : i32 to vector<160x128xi32>
    %ge3A_313 = arith.cmpi sge, %select_n3A, %ge3A_312 : vector<160x128xi32>
    %convert_element_type3A_314 = arith.extui %ge3A_313 : vector<160x128xi1> to vector<160x128xi32>
    %reduce_sum3A_315 = vector.shape_cast %convert_element_type3A_314 : vector<160x128xi32> to vector<1x160x128xi32>
    %reduce_sum3A_316 = arith.constant dense<0> : vector<1xi32>
    %reduce_sum3A_317 = vector.multi_reduction <add>, %reduce_sum3A_315, %reduce_sum3A_316 [1, 2] : vector<1x160x128xi32> to vector<1xi32>
    %reduce_sum3A_318 = vector.shape_cast %reduce_sum3A_317 : vector<1xi32> to vector<1x1x1xi32>
    %reduce_sum3A_319 = vector.extract %reduce_sum3A_318[0, 0, 0] : i32 from vector<1x1x1xi32>
    %ge3A_320 = arith.constant 6000 : i32
    %ge3A_321 = arith.cmpi sge, %reduce_sum3A_319, %ge3A_320 : i32
    %select_n3A_322 = arith.select %ge3A_321, %or3A_311, %select_n3A_309 : i32
    %or3A_323 = arith.constant 512 : i32
    %or3A_324 = arith.ori %select_n3A_322, %or3A_323 : i32
    %ge3A_325 = vector.broadcast %or3A_324 : i32 to vector<160x128xi32>
    %ge3A_326 = arith.cmpi sge, %select_n3A, %ge3A_325 : vector<160x128xi32>
    %convert_element_type3A_327 = arith.extui %ge3A_326 : vector<160x128xi1> to vector<160x128xi32>
    %reduce_sum3A_328 = vector.shape_cast %convert_element_type3A_327 : vector<160x128xi32> to vector<1x160x128xi32>
    %reduce_sum3A_329 = arith.constant dense<0> : vector<1xi32>
    %reduce_sum3A_330 = vector.multi_reduction <add>, %reduce_sum3A_328, %reduce_sum3A_329 [1, 2] : vector<1x160x128xi32> to vector<1xi32>
    %reduce_sum3A_331 = vector.shape_cast %reduce_sum3A_330 : vector<1xi32> to vector<1x1x1xi32>
    %reduce_sum3A_332 = vector.extract %reduce_sum3A_331[0, 0, 0] : i32 from vector<1x1x1xi32>
    %ge3A_333 = arith.constant 6000 : i32
    %ge3A_334 = arith.cmpi sge, %reduce_sum3A_332, %ge3A_333 : i32
    %select_n3A_335 = arith.select %ge3A_334, %or3A_324, %select_n3A_322 : i32
    %or3A_336 = arith.constant 256 : i32
    %or3A_337 = arith.ori %select_n3A_335, %or3A_336 : i32
    %ge3A_338 = vector.broadcast %or3A_337 : i32 to vector<160x128xi32>
    %ge3A_339 = arith.cmpi sge, %select_n3A, %ge3A_338 : vector<160x128xi32>
    %convert_element_type3A_340 = arith.extui %ge3A_339 : vector<160x128xi1> to vector<160x128xi32>
    %reduce_sum3A_341 = vector.shape_cast %convert_element_type3A_340 : vector<160x128xi32> to vector<1x160x128xi32>
    %reduce_sum3A_342 = arith.constant dense<0> : vector<1xi32>
    %reduce_sum3A_343 = vector.multi_reduction <add>, %reduce_sum3A_341, %reduce_sum3A_342 [1, 2] : vector<1x160x128xi32> to vector<1xi32>
    %reduce_sum3A_344 = vector.shape_cast %reduce_sum3A_343 : vector<1xi32> to vector<1x1x1xi32>
    %reduce_sum3A_345 = vector.extract %reduce_sum3A_344[0, 0, 0] : i32 from vector<1x1x1xi32>
    %ge3A_346 = arith.constant 6000 : i32
    %ge3A_347 = arith.cmpi sge, %reduce_sum3A_345, %ge3A_346 : i32
    %select_n3A_348 = arith.select %ge3A_347, %or3A_337, %select_n3A_335 : i32
    %or3A_349 = arith.constant 128 : i32
    %or3A_350 = arith.ori %select_n3A_348, %or3A_349 : i32
    %ge3A_351 = vector.broadcast %or3A_350 : i32 to vector<160x128xi32>
    %ge3A_352 = arith.cmpi sge, %select_n3A, %ge3A_351 : vector<160x128xi32>
    %convert_element_type3A_353 = arith.extui %ge3A_352 : vector<160x128xi1> to vector<160x128xi32>
    %reduce_sum3A_354 = vector.shape_cast %convert_element_type3A_353 : vector<160x128xi32> to vector<1x160x128xi32>
    %reduce_sum3A_355 = arith.constant dense<0> : vector<1xi32>
    %reduce_sum3A_356 = vector.multi_reduction <add>, %reduce_sum3A_354, %reduce_sum3A_355 [1, 2] : vector<1x160x128xi32> to vector<1xi32>
    %reduce_sum3A_357 = vector.shape_cast %reduce_sum3A_356 : vector<1xi32> to vector<1x1x1xi32>
    %reduce_sum3A_358 = vector.extract %reduce_sum3A_357[0, 0, 0] : i32 from vector<1x1x1xi32>
    %ge3A_359 = arith.constant 6000 : i32
    %ge3A_360 = arith.cmpi sge, %reduce_sum3A_358, %ge3A_359 : i32
    %select_n3A_361 = arith.select %ge3A_360, %or3A_350, %select_n3A_348 : i32
    %or3A_362 = arith.constant 64 : i32
    %or3A_363 = arith.ori %select_n3A_361, %or3A_362 : i32
    %ge3A_364 = vector.broadcast %or3A_363 : i32 to vector<160x128xi32>
    %ge3A_365 = arith.cmpi sge, %select_n3A, %ge3A_364 : vector<160x128xi32>
    %convert_element_type3A_366 = arith.extui %ge3A_365 : vector<160x128xi1> to vector<160x128xi32>
    %reduce_sum3A_367 = vector.shape_cast %convert_element_type3A_366 : vector<160x128xi32> to vector<1x160x128xi32>
    %reduce_sum3A_368 = arith.constant dense<0> : vector<1xi32>
    %reduce_sum3A_369 = vector.multi_reduction <add>, %reduce_sum3A_367, %reduce_sum3A_368 [1, 2] : vector<1x160x128xi32> to vector<1xi32>
    %reduce_sum3A_370 = vector.shape_cast %reduce_sum3A_369 : vector<1xi32> to vector<1x1x1xi32>
    %reduce_sum3A_371 = vector.extract %reduce_sum3A_370[0, 0, 0] : i32 from vector<1x1x1xi32>
    %ge3A_372 = arith.constant 6000 : i32
    %ge3A_373 = arith.cmpi sge, %reduce_sum3A_371, %ge3A_372 : i32
    %select_n3A_374 = arith.select %ge3A_373, %or3A_363, %select_n3A_361 : i32
    %or3A_375 = arith.constant 32 : i32
    %or3A_376 = arith.ori %select_n3A_374, %or3A_375 : i32
    %ge3A_377 = vector.broadcast %or3A_376 : i32 to vector<160x128xi32>
    %ge3A_378 = arith.cmpi sge, %select_n3A, %ge3A_377 : vector<160x128xi32>
    %convert_element_type3A_379 = arith.extui %ge3A_378 : vector<160x128xi1> to vector<160x128xi32>
    %reduce_sum3A_380 = vector.shape_cast %convert_element_type3A_379 : vector<160x128xi32> to vector<1x160x128xi32>
    %reduce_sum3A_381 = arith.constant dense<0> : vector<1xi32>
    %reduce_sum3A_382 = vector.multi_reduction <add>, %reduce_sum3A_380, %reduce_sum3A_381 [1, 2] : vector<1x160x128xi32> to vector<1xi32>
    %reduce_sum3A_383 = vector.shape_cast %reduce_sum3A_382 : vector<1xi32> to vector<1x1x1xi32>
    %reduce_sum3A_384 = vector.extract %reduce_sum3A_383[0, 0, 0] : i32 from vector<1x1x1xi32>
    %ge3A_385 = arith.constant 6000 : i32
    %ge3A_386 = arith.cmpi sge, %reduce_sum3A_384, %ge3A_385 : i32
    %select_n3A_387 = arith.select %ge3A_386, %or3A_376, %select_n3A_374 : i32
    %or3A_388 = arith.constant 16 : i32
    %or3A_389 = arith.ori %select_n3A_387, %or3A_388 : i32
    %ge3A_390 = vector.broadcast %or3A_389 : i32 to vector<160x128xi32>
    %ge3A_391 = arith.cmpi sge, %select_n3A, %ge3A_390 : vector<160x128xi32>
    %convert_element_type3A_392 = arith.extui %ge3A_391 : vector<160x128xi1> to vector<160x128xi32>
    %reduce_sum3A_393 = vector.shape_cast %convert_element_type3A_392 : vector<160x128xi32> to vector<1x160x128xi32>
    %reduce_sum3A_394 = arith.constant dense<0> : vector<1xi32>
    %reduce_sum3A_395 = vector.multi_reduction <add>, %reduce_sum3A_393, %reduce_sum3A_394 [1, 2] : vector<1x160x128xi32> to vector<1xi32>
    %reduce_sum3A_396 = vector.shape_cast %reduce_sum3A_395 : vector<1xi32> to vector<1x1x1xi32>
    %reduce_sum3A_397 = vector.extract %reduce_sum3A_396[0, 0, 0] : i32 from vector<1x1x1xi32>
    %ge3A_398 = arith.constant 6000 : i32
    %ge3A_399 = arith.cmpi sge, %reduce_sum3A_397, %ge3A_398 : i32
    %select_n3A_400 = arith.select %ge3A_399, %or3A_389, %select_n3A_387 : i32
    %or3A_401 = arith.constant 8 : i32
    %or3A_402 = arith.ori %select_n3A_400, %or3A_401 : i32
    %ge3A_403 = vector.broadcast %or3A_402 : i32 to vector<160x128xi32>
    %ge3A_404 = arith.cmpi sge, %select_n3A, %ge3A_403 : vector<160x128xi32>
    %convert_element_type3A_405 = arith.extui %ge3A_404 : vector<160x128xi1> to vector<160x128xi32>
    %reduce_sum3A_406 = vector.shape_cast %convert_element_type3A_405 : vector<160x128xi32> to vector<1x160x128xi32>
    %reduce_sum3A_407 = arith.constant dense<0> : vector<1xi32>
    %reduce_sum3A_408 = vector.multi_reduction <add>, %reduce_sum3A_406, %reduce_sum3A_407 [1, 2] : vector<1x160x128xi32> to vector<1xi32>
    %reduce_sum3A_409 = vector.shape_cast %reduce_sum3A_408 : vector<1xi32> to vector<1x1x1xi32>
    %reduce_sum3A_410 = vector.extract %reduce_sum3A_409[0, 0, 0] : i32 from vector<1x1x1xi32>
    %ge3A_411 = arith.constant 6000 : i32
    %ge3A_412 = arith.cmpi sge, %reduce_sum3A_410, %ge3A_411 : i32
    %select_n3A_413 = arith.select %ge3A_412, %or3A_402, %select_n3A_400 : i32
    %or3A_414 = arith.constant 4 : i32
    %or3A_415 = arith.ori %select_n3A_413, %or3A_414 : i32
    %ge3A_416 = vector.broadcast %or3A_415 : i32 to vector<160x128xi32>
    %ge3A_417 = arith.cmpi sge, %select_n3A, %ge3A_416 : vector<160x128xi32>
    %convert_element_type3A_418 = arith.extui %ge3A_417 : vector<160x128xi1> to vector<160x128xi32>
    %reduce_sum3A_419 = vector.shape_cast %convert_element_type3A_418 : vector<160x128xi32> to vector<1x160x128xi32>
    %reduce_sum3A_420 = arith.constant dense<0> : vector<1xi32>
    %reduce_sum3A_421 = vector.multi_reduction <add>, %reduce_sum3A_419, %reduce_sum3A_420 [1, 2] : vector<1x160x128xi32> to vector<1xi32>
    %reduce_sum3A_422 = vector.shape_cast %reduce_sum3A_421 : vector<1xi32> to vector<1x1x1xi32>
    %reduce_sum3A_423 = vector.extract %reduce_sum3A_422[0, 0, 0] : i32 from vector<1x1x1xi32>
    %ge3A_424 = arith.constant 6000 : i32
    %ge3A_425 = arith.cmpi sge, %reduce_sum3A_423, %ge3A_424 : i32
    %select_n3A_426 = arith.select %ge3A_425, %or3A_415, %select_n3A_413 : i32
    %or3A_427 = arith.constant 2 : i32
    %or3A_428 = arith.ori %select_n3A_426, %or3A_427 : i32
    %ge3A_429 = vector.broadcast %or3A_428 : i32 to vector<160x128xi32>
    %ge3A_430 = arith.cmpi sge, %select_n3A, %ge3A_429 : vector<160x128xi32>
    %convert_element_type3A_431 = arith.extui %ge3A_430 : vector<160x128xi1> to vector<160x128xi32>
    %reduce_sum3A_432 = vector.shape_cast %convert_element_type3A_431 : vector<160x128xi32> to vector<1x160x128xi32>
    %reduce_sum3A_433 = arith.constant dense<0> : vector<1xi32>
    %reduce_sum3A_434 = vector.multi_reduction <add>, %reduce_sum3A_432, %reduce_sum3A_433 [1, 2] : vector<1x160x128xi32> to vector<1xi32>
    %reduce_sum3A_435 = vector.shape_cast %reduce_sum3A_434 : vector<1xi32> to vector<1x1x1xi32>
    %reduce_sum3A_436 = vector.extract %reduce_sum3A_435[0, 0, 0] : i32 from vector<1x1x1xi32>
    %ge3A_437 = arith.constant 6000 : i32
    %ge3A_438 = arith.cmpi sge, %reduce_sum3A_436, %ge3A_437 : i32
    %select_n3A_439 = arith.select %ge3A_438, %or3A_428, %select_n3A_426 : i32
    %or3A_440 = arith.constant 1 : i32
    %or3A_441 = arith.ori %select_n3A_439, %or3A_440 : i32
    %ge3A_442 = vector.broadcast %or3A_441 : i32 to vector<160x128xi32>
    %ge3A_443 = arith.cmpi sge, %select_n3A, %ge3A_442 : vector<160x128xi32>
    %convert_element_type3A_444 = arith.extui %ge3A_443 : vector<160x128xi1> to vector<160x128xi32>
    %reduce_sum3A_445 = vector.shape_cast %convert_element_type3A_444 : vector<160x128xi32> to vector<1x160x128xi32>
    %reduce_sum3A_446 = arith.constant dense<0> : vector<1xi32>
    %reduce_sum3A_447 = vector.multi_reduction <add>, %reduce_sum3A_445, %reduce_sum3A_446 [1, 2] : vector<1x160x128xi32> to vector<1xi32>
    %reduce_sum3A_448 = vector.shape_cast %reduce_sum3A_447 : vector<1xi32> to vector<1x1x1xi32>
    %reduce_sum3A_449 = vector.extract %reduce_sum3A_448[0, 0, 0] : i32 from vector<1x1x1xi32>
    %ge3A_450 = arith.constant 6000 : i32
    %ge3A_451 = arith.cmpi sge, %reduce_sum3A_449, %ge3A_450 : i32
    %select_n3A_452 = arith.select %ge3A_451, %or3A_441, %select_n3A_439 : i32
    %or3A_453 = arith.constant 0 : i32
    %or3A_454 = arith.constant 16384 : i32
    %or3A_455 = arith.ori %or3A_453, %or3A_454 : i32
    %gt3A = vector.broadcast %select_n3A_452 : i32 to vector<160x128xi32>
    %gt3A_456 = arith.cmpi sgt, %select_n3A, %gt3A : vector<160x128xi32>
    %eq3A = vector.broadcast %select_n3A_452 : i32 to vector<160x128xi32>
    %eq3A_457 = arith.cmpi eq, %select_n3A, %eq3A : vector<160x128xi32>
    %ge3A_458 = vector.broadcast %or3A_455 : i32 to vector<160x128xi32>
    %ge3A_459 = arith.cmpi sge, %sub3A_38, %ge3A_458 : vector<160x128xi32>
    %and3A_460 = arith.andi %eq3A_457, %ge3A_459 : vector<160x128xi1>
    %or3A_461 = arith.ori %gt3A_456, %and3A_460 : vector<160x128xi1>
    %convert_element_type3A_462 = arith.extui %or3A_461 : vector<160x128xi1> to vector<160x128xi32>
    %reduce_sum3A_463 = vector.shape_cast %convert_element_type3A_462 : vector<160x128xi32> to vector<1x160x128xi32>
    %reduce_sum3A_464 = arith.constant dense<0> : vector<1xi32>
    %reduce_sum3A_465 = vector.multi_reduction <add>, %reduce_sum3A_463, %reduce_sum3A_464 [1, 2] : vector<1x160x128xi32> to vector<1xi32>
    %reduce_sum3A_466 = vector.shape_cast %reduce_sum3A_465 : vector<1xi32> to vector<1x1x1xi32>
    %reduce_sum3A_467 = vector.extract %reduce_sum3A_466[0, 0, 0] : i32 from vector<1x1x1xi32>
    %ge3A_468 = arith.constant 6000 : i32
    %ge3A_469 = arith.cmpi sge, %reduce_sum3A_467, %ge3A_468 : i32
    %jit3A_470 = arith.constant 0 : i32
    %select_n3A_471 = arith.select %ge3A_469, %or3A_455, %jit3A_470 : i32
    %or3A_472 = arith.constant 8192 : i32
    %or3A_473 = arith.ori %select_n3A_471, %or3A_472 : i32
    %gt3A_474 = vector.broadcast %select_n3A_452 : i32 to vector<160x128xi32>
    %gt3A_475 = arith.cmpi sgt, %select_n3A, %gt3A_474 : vector<160x128xi32>
    %eq3A_476 = vector.broadcast %select_n3A_452 : i32 to vector<160x128xi32>
    %eq3A_477 = arith.cmpi eq, %select_n3A, %eq3A_476 : vector<160x128xi32>
    %ge3A_478 = vector.broadcast %or3A_473 : i32 to vector<160x128xi32>
    %ge3A_479 = arith.cmpi sge, %sub3A_38, %ge3A_478 : vector<160x128xi32>
    %and3A_480 = arith.andi %eq3A_477, %ge3A_479 : vector<160x128xi1>
    %or3A_481 = arith.ori %gt3A_475, %and3A_480 : vector<160x128xi1>
    %convert_element_type3A_482 = arith.extui %or3A_481 : vector<160x128xi1> to vector<160x128xi32>
    %reduce_sum3A_483 = vector.shape_cast %convert_element_type3A_482 : vector<160x128xi32> to vector<1x160x128xi32>
    %reduce_sum3A_484 = arith.constant dense<0> : vector<1xi32>
    %reduce_sum3A_485 = vector.multi_reduction <add>, %reduce_sum3A_483, %reduce_sum3A_484 [1, 2] : vector<1x160x128xi32> to vector<1xi32>
    %reduce_sum3A_486 = vector.shape_cast %reduce_sum3A_485 : vector<1xi32> to vector<1x1x1xi32>
    %reduce_sum3A_487 = vector.extract %reduce_sum3A_486[0, 0, 0] : i32 from vector<1x1x1xi32>
    %ge3A_488 = arith.constant 6000 : i32
    %ge3A_489 = arith.cmpi sge, %reduce_sum3A_487, %ge3A_488 : i32
    %select_n3A_490 = arith.select %ge3A_489, %or3A_473, %select_n3A_471 : i32
    %or3A_491 = arith.constant 4096 : i32
    %or3A_492 = arith.ori %select_n3A_490, %or3A_491 : i32
    %gt3A_493 = vector.broadcast %select_n3A_452 : i32 to vector<160x128xi32>
    %gt3A_494 = arith.cmpi sgt, %select_n3A, %gt3A_493 : vector<160x128xi32>
    %eq3A_495 = vector.broadcast %select_n3A_452 : i32 to vector<160x128xi32>
    %eq3A_496 = arith.cmpi eq, %select_n3A, %eq3A_495 : vector<160x128xi32>
    %ge3A_497 = vector.broadcast %or3A_492 : i32 to vector<160x128xi32>
    %ge3A_498 = arith.cmpi sge, %sub3A_38, %ge3A_497 : vector<160x128xi32>
    %and3A_499 = arith.andi %eq3A_496, %ge3A_498 : vector<160x128xi1>
    %or3A_500 = arith.ori %gt3A_494, %and3A_499 : vector<160x128xi1>
    %convert_element_type3A_501 = arith.extui %or3A_500 : vector<160x128xi1> to vector<160x128xi32>
    %reduce_sum3A_502 = vector.shape_cast %convert_element_type3A_501 : vector<160x128xi32> to vector<1x160x128xi32>
    %reduce_sum3A_503 = arith.constant dense<0> : vector<1xi32>
    %reduce_sum3A_504 = vector.multi_reduction <add>, %reduce_sum3A_502, %reduce_sum3A_503 [1, 2] : vector<1x160x128xi32> to vector<1xi32>
    %reduce_sum3A_505 = vector.shape_cast %reduce_sum3A_504 : vector<1xi32> to vector<1x1x1xi32>
    %reduce_sum3A_506 = vector.extract %reduce_sum3A_505[0, 0, 0] : i32 from vector<1x1x1xi32>
    %ge3A_507 = arith.constant 6000 : i32
    %ge3A_508 = arith.cmpi sge, %reduce_sum3A_506, %ge3A_507 : i32
    %select_n3A_509 = arith.select %ge3A_508, %or3A_492, %select_n3A_490 : i32
    %or3A_510 = arith.constant 2048 : i32
    %or3A_511 = arith.ori %select_n3A_509, %or3A_510 : i32
    %gt3A_512 = vector.broadcast %select_n3A_452 : i32 to vector<160x128xi32>
    %gt3A_513 = arith.cmpi sgt, %select_n3A, %gt3A_512 : vector<160x128xi32>
    %eq3A_514 = vector.broadcast %select_n3A_452 : i32 to vector<160x128xi32>
    %eq3A_515 = arith.cmpi eq, %select_n3A, %eq3A_514 : vector<160x128xi32>
    %ge3A_516 = vector.broadcast %or3A_511 : i32 to vector<160x128xi32>
    %ge3A_517 = arith.cmpi sge, %sub3A_38, %ge3A_516 : vector<160x128xi32>
    %and3A_518 = arith.andi %eq3A_515, %ge3A_517 : vector<160x128xi1>
    %or3A_519 = arith.ori %gt3A_513, %and3A_518 : vector<160x128xi1>
    %convert_element_type3A_520 = arith.extui %or3A_519 : vector<160x128xi1> to vector<160x128xi32>
    %reduce_sum3A_521 = vector.shape_cast %convert_element_type3A_520 : vector<160x128xi32> to vector<1x160x128xi32>
    %reduce_sum3A_522 = arith.constant dense<0> : vector<1xi32>
    %reduce_sum3A_523 = vector.multi_reduction <add>, %reduce_sum3A_521, %reduce_sum3A_522 [1, 2] : vector<1x160x128xi32> to vector<1xi32>
    %reduce_sum3A_524 = vector.shape_cast %reduce_sum3A_523 : vector<1xi32> to vector<1x1x1xi32>
    %reduce_sum3A_525 = vector.extract %reduce_sum3A_524[0, 0, 0] : i32 from vector<1x1x1xi32>
    %ge3A_526 = arith.constant 6000 : i32
    %ge3A_527 = arith.cmpi sge, %reduce_sum3A_525, %ge3A_526 : i32
    %select_n3A_528 = arith.select %ge3A_527, %or3A_511, %select_n3A_509 : i32
    %or3A_529 = arith.constant 1024 : i32
    %or3A_530 = arith.ori %select_n3A_528, %or3A_529 : i32
    %gt3A_531 = vector.broadcast %select_n3A_452 : i32 to vector<160x128xi32>
    %gt3A_532 = arith.cmpi sgt, %select_n3A, %gt3A_531 : vector<160x128xi32>
    %eq3A_533 = vector.broadcast %select_n3A_452 : i32 to vector<160x128xi32>
    %eq3A_534 = arith.cmpi eq, %select_n3A, %eq3A_533 : vector<160x128xi32>
    %ge3A_535 = vector.broadcast %or3A_530 : i32 to vector<160x128xi32>
    %ge3A_536 = arith.cmpi sge, %sub3A_38, %ge3A_535 : vector<160x128xi32>
    %and3A_537 = arith.andi %eq3A_534, %ge3A_536 : vector<160x128xi1>
    %or3A_538 = arith.ori %gt3A_532, %and3A_537 : vector<160x128xi1>
    %convert_element_type3A_539 = arith.extui %or3A_538 : vector<160x128xi1> to vector<160x128xi32>
    %reduce_sum3A_540 = vector.shape_cast %convert_element_type3A_539 : vector<160x128xi32> to vector<1x160x128xi32>
    %reduce_sum3A_541 = arith.constant dense<0> : vector<1xi32>
    %reduce_sum3A_542 = vector.multi_reduction <add>, %reduce_sum3A_540, %reduce_sum3A_541 [1, 2] : vector<1x160x128xi32> to vector<1xi32>
    %reduce_sum3A_543 = vector.shape_cast %reduce_sum3A_542 : vector<1xi32> to vector<1x1x1xi32>
    %reduce_sum3A_544 = vector.extract %reduce_sum3A_543[0, 0, 0] : i32 from vector<1x1x1xi32>
    %ge3A_545 = arith.constant 6000 : i32
    %ge3A_546 = arith.cmpi sge, %reduce_sum3A_544, %ge3A_545 : i32
    %select_n3A_547 = arith.select %ge3A_546, %or3A_530, %select_n3A_528 : i32
    %or3A_548 = arith.constant 512 : i32
    %or3A_549 = arith.ori %select_n3A_547, %or3A_548 : i32
    %gt3A_550 = vector.broadcast %select_n3A_452 : i32 to vector<160x128xi32>
    %gt3A_551 = arith.cmpi sgt, %select_n3A, %gt3A_550 : vector<160x128xi32>
    %eq3A_552 = vector.broadcast %select_n3A_452 : i32 to vector<160x128xi32>
    %eq3A_553 = arith.cmpi eq, %select_n3A, %eq3A_552 : vector<160x128xi32>
    %ge3A_554 = vector.broadcast %or3A_549 : i32 to vector<160x128xi32>
    %ge3A_555 = arith.cmpi sge, %sub3A_38, %ge3A_554 : vector<160x128xi32>
    %and3A_556 = arith.andi %eq3A_553, %ge3A_555 : vector<160x128xi1>
    %or3A_557 = arith.ori %gt3A_551, %and3A_556 : vector<160x128xi1>
    %convert_element_type3A_558 = arith.extui %or3A_557 : vector<160x128xi1> to vector<160x128xi32>
    %reduce_sum3A_559 = vector.shape_cast %convert_element_type3A_558 : vector<160x128xi32> to vector<1x160x128xi32>
    %reduce_sum3A_560 = arith.constant dense<0> : vector<1xi32>
    %reduce_sum3A_561 = vector.multi_reduction <add>, %reduce_sum3A_559, %reduce_sum3A_560 [1, 2] : vector<1x160x128xi32> to vector<1xi32>
    %reduce_sum3A_562 = vector.shape_cast %reduce_sum3A_561 : vector<1xi32> to vector<1x1x1xi32>
    %reduce_sum3A_563 = vector.extract %reduce_sum3A_562[0, 0, 0] : i32 from vector<1x1x1xi32>
    %ge3A_564 = arith.constant 6000 : i32
    %ge3A_565 = arith.cmpi sge, %reduce_sum3A_563, %ge3A_564 : i32
    %select_n3A_566 = arith.select %ge3A_565, %or3A_549, %select_n3A_547 : i32
    %or3A_567 = arith.constant 256 : i32
    %or3A_568 = arith.ori %select_n3A_566, %or3A_567 : i32
    %gt3A_569 = vector.broadcast %select_n3A_452 : i32 to vector<160x128xi32>
    %gt3A_570 = arith.cmpi sgt, %select_n3A, %gt3A_569 : vector<160x128xi32>
    %eq3A_571 = vector.broadcast %select_n3A_452 : i32 to vector<160x128xi32>
    %eq3A_572 = arith.cmpi eq, %select_n3A, %eq3A_571 : vector<160x128xi32>
    %ge3A_573 = vector.broadcast %or3A_568 : i32 to vector<160x128xi32>
    %ge3A_574 = arith.cmpi sge, %sub3A_38, %ge3A_573 : vector<160x128xi32>
    %and3A_575 = arith.andi %eq3A_572, %ge3A_574 : vector<160x128xi1>
    %or3A_576 = arith.ori %gt3A_570, %and3A_575 : vector<160x128xi1>
    %convert_element_type3A_577 = arith.extui %or3A_576 : vector<160x128xi1> to vector<160x128xi32>
    %reduce_sum3A_578 = vector.shape_cast %convert_element_type3A_577 : vector<160x128xi32> to vector<1x160x128xi32>
    %reduce_sum3A_579 = arith.constant dense<0> : vector<1xi32>
    %reduce_sum3A_580 = vector.multi_reduction <add>, %reduce_sum3A_578, %reduce_sum3A_579 [1, 2] : vector<1x160x128xi32> to vector<1xi32>
    %reduce_sum3A_581 = vector.shape_cast %reduce_sum3A_580 : vector<1xi32> to vector<1x1x1xi32>
    %reduce_sum3A_582 = vector.extract %reduce_sum3A_581[0, 0, 0] : i32 from vector<1x1x1xi32>
    %ge3A_583 = arith.constant 6000 : i32
    %ge3A_584 = arith.cmpi sge, %reduce_sum3A_582, %ge3A_583 : i32
    %select_n3A_585 = arith.select %ge3A_584, %or3A_568, %select_n3A_566 : i32
    %or3A_586 = arith.constant 128 : i32
    %or3A_587 = arith.ori %select_n3A_585, %or3A_586 : i32
    %gt3A_588 = vector.broadcast %select_n3A_452 : i32 to vector<160x128xi32>
    %gt3A_589 = arith.cmpi sgt, %select_n3A, %gt3A_588 : vector<160x128xi32>
    %eq3A_590 = vector.broadcast %select_n3A_452 : i32 to vector<160x128xi32>
    %eq3A_591 = arith.cmpi eq, %select_n3A, %eq3A_590 : vector<160x128xi32>
    %ge3A_592 = vector.broadcast %or3A_587 : i32 to vector<160x128xi32>
    %ge3A_593 = arith.cmpi sge, %sub3A_38, %ge3A_592 : vector<160x128xi32>
    %and3A_594 = arith.andi %eq3A_591, %ge3A_593 : vector<160x128xi1>
    %or3A_595 = arith.ori %gt3A_589, %and3A_594 : vector<160x128xi1>
    %convert_element_type3A_596 = arith.extui %or3A_595 : vector<160x128xi1> to vector<160x128xi32>
    %reduce_sum3A_597 = vector.shape_cast %convert_element_type3A_596 : vector<160x128xi32> to vector<1x160x128xi32>
    %reduce_sum3A_598 = arith.constant dense<0> : vector<1xi32>
    %reduce_sum3A_599 = vector.multi_reduction <add>, %reduce_sum3A_597, %reduce_sum3A_598 [1, 2] : vector<1x160x128xi32> to vector<1xi32>
    %reduce_sum3A_600 = vector.shape_cast %reduce_sum3A_599 : vector<1xi32> to vector<1x1x1xi32>
    %reduce_sum3A_601 = vector.extract %reduce_sum3A_600[0, 0, 0] : i32 from vector<1x1x1xi32>
    %ge3A_602 = arith.constant 6000 : i32
    %ge3A_603 = arith.cmpi sge, %reduce_sum3A_601, %ge3A_602 : i32
    %select_n3A_604 = arith.select %ge3A_603, %or3A_587, %select_n3A_585 : i32
    %or3A_605 = arith.constant 64 : i32
    %or3A_606 = arith.ori %select_n3A_604, %or3A_605 : i32
    %gt3A_607 = vector.broadcast %select_n3A_452 : i32 to vector<160x128xi32>
    %gt3A_608 = arith.cmpi sgt, %select_n3A, %gt3A_607 : vector<160x128xi32>
    %eq3A_609 = vector.broadcast %select_n3A_452 : i32 to vector<160x128xi32>
    %eq3A_610 = arith.cmpi eq, %select_n3A, %eq3A_609 : vector<160x128xi32>
    %ge3A_611 = vector.broadcast %or3A_606 : i32 to vector<160x128xi32>
    %ge3A_612 = arith.cmpi sge, %sub3A_38, %ge3A_611 : vector<160x128xi32>
    %and3A_613 = arith.andi %eq3A_610, %ge3A_612 : vector<160x128xi1>
    %or3A_614 = arith.ori %gt3A_608, %and3A_613 : vector<160x128xi1>
    %convert_element_type3A_615 = arith.extui %or3A_614 : vector<160x128xi1> to vector<160x128xi32>
    %reduce_sum3A_616 = vector.shape_cast %convert_element_type3A_615 : vector<160x128xi32> to vector<1x160x128xi32>
    %reduce_sum3A_617 = arith.constant dense<0> : vector<1xi32>
    %reduce_sum3A_618 = vector.multi_reduction <add>, %reduce_sum3A_616, %reduce_sum3A_617 [1, 2] : vector<1x160x128xi32> to vector<1xi32>
    %reduce_sum3A_619 = vector.shape_cast %reduce_sum3A_618 : vector<1xi32> to vector<1x1x1xi32>
    %reduce_sum3A_620 = vector.extract %reduce_sum3A_619[0, 0, 0] : i32 from vector<1x1x1xi32>
    %ge3A_621 = arith.constant 6000 : i32
    %ge3A_622 = arith.cmpi sge, %reduce_sum3A_620, %ge3A_621 : i32
    %select_n3A_623 = arith.select %ge3A_622, %or3A_606, %select_n3A_604 : i32
    %or3A_624 = arith.constant 32 : i32
    %or3A_625 = arith.ori %select_n3A_623, %or3A_624 : i32
    %gt3A_626 = vector.broadcast %select_n3A_452 : i32 to vector<160x128xi32>
    %gt3A_627 = arith.cmpi sgt, %select_n3A, %gt3A_626 : vector<160x128xi32>
    %eq3A_628 = vector.broadcast %select_n3A_452 : i32 to vector<160x128xi32>
    %eq3A_629 = arith.cmpi eq, %select_n3A, %eq3A_628 : vector<160x128xi32>
    %ge3A_630 = vector.broadcast %or3A_625 : i32 to vector<160x128xi32>
    %ge3A_631 = arith.cmpi sge, %sub3A_38, %ge3A_630 : vector<160x128xi32>
    %and3A_632 = arith.andi %eq3A_629, %ge3A_631 : vector<160x128xi1>
    %or3A_633 = arith.ori %gt3A_627, %and3A_632 : vector<160x128xi1>
    %convert_element_type3A_634 = arith.extui %or3A_633 : vector<160x128xi1> to vector<160x128xi32>
    %reduce_sum3A_635 = vector.shape_cast %convert_element_type3A_634 : vector<160x128xi32> to vector<1x160x128xi32>
    %reduce_sum3A_636 = arith.constant dense<0> : vector<1xi32>
    %reduce_sum3A_637 = vector.multi_reduction <add>, %reduce_sum3A_635, %reduce_sum3A_636 [1, 2] : vector<1x160x128xi32> to vector<1xi32>
    %reduce_sum3A_638 = vector.shape_cast %reduce_sum3A_637 : vector<1xi32> to vector<1x1x1xi32>
    %reduce_sum3A_639 = vector.extract %reduce_sum3A_638[0, 0, 0] : i32 from vector<1x1x1xi32>
    %ge3A_640 = arith.constant 6000 : i32
    %ge3A_641 = arith.cmpi sge, %reduce_sum3A_639, %ge3A_640 : i32
    %select_n3A_642 = arith.select %ge3A_641, %or3A_625, %select_n3A_623 : i32
    %or3A_643 = arith.constant 16 : i32
    %or3A_644 = arith.ori %select_n3A_642, %or3A_643 : i32
    %gt3A_645 = vector.broadcast %select_n3A_452 : i32 to vector<160x128xi32>
    %gt3A_646 = arith.cmpi sgt, %select_n3A, %gt3A_645 : vector<160x128xi32>
    %eq3A_647 = vector.broadcast %select_n3A_452 : i32 to vector<160x128xi32>
    %eq3A_648 = arith.cmpi eq, %select_n3A, %eq3A_647 : vector<160x128xi32>
    %ge3A_649 = vector.broadcast %or3A_644 : i32 to vector<160x128xi32>
    %ge3A_650 = arith.cmpi sge, %sub3A_38, %ge3A_649 : vector<160x128xi32>
    %and3A_651 = arith.andi %eq3A_648, %ge3A_650 : vector<160x128xi1>
    %or3A_652 = arith.ori %gt3A_646, %and3A_651 : vector<160x128xi1>
    %convert_element_type3A_653 = arith.extui %or3A_652 : vector<160x128xi1> to vector<160x128xi32>
    %reduce_sum3A_654 = vector.shape_cast %convert_element_type3A_653 : vector<160x128xi32> to vector<1x160x128xi32>
    %reduce_sum3A_655 = arith.constant dense<0> : vector<1xi32>
    %reduce_sum3A_656 = vector.multi_reduction <add>, %reduce_sum3A_654, %reduce_sum3A_655 [1, 2] : vector<1x160x128xi32> to vector<1xi32>
    %reduce_sum3A_657 = vector.shape_cast %reduce_sum3A_656 : vector<1xi32> to vector<1x1x1xi32>
    %reduce_sum3A_658 = vector.extract %reduce_sum3A_657[0, 0, 0] : i32 from vector<1x1x1xi32>
    %ge3A_659 = arith.constant 6000 : i32
    %ge3A_660 = arith.cmpi sge, %reduce_sum3A_658, %ge3A_659 : i32
    %select_n3A_661 = arith.select %ge3A_660, %or3A_644, %select_n3A_642 : i32
    %or3A_662 = arith.constant 8 : i32
    %or3A_663 = arith.ori %select_n3A_661, %or3A_662 : i32
    %gt3A_664 = vector.broadcast %select_n3A_452 : i32 to vector<160x128xi32>
    %gt3A_665 = arith.cmpi sgt, %select_n3A, %gt3A_664 : vector<160x128xi32>
    %eq3A_666 = vector.broadcast %select_n3A_452 : i32 to vector<160x128xi32>
    %eq3A_667 = arith.cmpi eq, %select_n3A, %eq3A_666 : vector<160x128xi32>
    %ge3A_668 = vector.broadcast %or3A_663 : i32 to vector<160x128xi32>
    %ge3A_669 = arith.cmpi sge, %sub3A_38, %ge3A_668 : vector<160x128xi32>
    %and3A_670 = arith.andi %eq3A_667, %ge3A_669 : vector<160x128xi1>
    %or3A_671 = arith.ori %gt3A_665, %and3A_670 : vector<160x128xi1>
    %convert_element_type3A_672 = arith.extui %or3A_671 : vector<160x128xi1> to vector<160x128xi32>
    %reduce_sum3A_673 = vector.shape_cast %convert_element_type3A_672 : vector<160x128xi32> to vector<1x160x128xi32>
    %reduce_sum3A_674 = arith.constant dense<0> : vector<1xi32>
    %reduce_sum3A_675 = vector.multi_reduction <add>, %reduce_sum3A_673, %reduce_sum3A_674 [1, 2] : vector<1x160x128xi32> to vector<1xi32>
    %reduce_sum3A_676 = vector.shape_cast %reduce_sum3A_675 : vector<1xi32> to vector<1x1x1xi32>
    %reduce_sum3A_677 = vector.extract %reduce_sum3A_676[0, 0, 0] : i32 from vector<1x1x1xi32>
    %ge3A_678 = arith.constant 6000 : i32
    %ge3A_679 = arith.cmpi sge, %reduce_sum3A_677, %ge3A_678 : i32
    %select_n3A_680 = arith.select %ge3A_679, %or3A_663, %select_n3A_661 : i32
    %or3A_681 = arith.constant 4 : i32
    %or3A_682 = arith.ori %select_n3A_680, %or3A_681 : i32
    %gt3A_683 = vector.broadcast %select_n3A_452 : i32 to vector<160x128xi32>
    %gt3A_684 = arith.cmpi sgt, %select_n3A, %gt3A_683 : vector<160x128xi32>
    %eq3A_685 = vector.broadcast %select_n3A_452 : i32 to vector<160x128xi32>
    %eq3A_686 = arith.cmpi eq, %select_n3A, %eq3A_685 : vector<160x128xi32>
    %ge3A_687 = vector.broadcast %or3A_682 : i32 to vector<160x128xi32>
    %ge3A_688 = arith.cmpi sge, %sub3A_38, %ge3A_687 : vector<160x128xi32>
    %and3A_689 = arith.andi %eq3A_686, %ge3A_688 : vector<160x128xi1>
    %or3A_690 = arith.ori %gt3A_684, %and3A_689 : vector<160x128xi1>
    %convert_element_type3A_691 = arith.extui %or3A_690 : vector<160x128xi1> to vector<160x128xi32>
    %reduce_sum3A_692 = vector.shape_cast %convert_element_type3A_691 : vector<160x128xi32> to vector<1x160x128xi32>
    %reduce_sum3A_693 = arith.constant dense<0> : vector<1xi32>
    %reduce_sum3A_694 = vector.multi_reduction <add>, %reduce_sum3A_692, %reduce_sum3A_693 [1, 2] : vector<1x160x128xi32> to vector<1xi32>
    %reduce_sum3A_695 = vector.shape_cast %reduce_sum3A_694 : vector<1xi32> to vector<1x1x1xi32>
    %reduce_sum3A_696 = vector.extract %reduce_sum3A_695[0, 0, 0] : i32 from vector<1x1x1xi32>
    %ge3A_697 = arith.constant 6000 : i32
    %ge3A_698 = arith.cmpi sge, %reduce_sum3A_696, %ge3A_697 : i32
    %select_n3A_699 = arith.select %ge3A_698, %or3A_682, %select_n3A_680 : i32
    %or3A_700 = arith.constant 2 : i32
    %or3A_701 = arith.ori %select_n3A_699, %or3A_700 : i32
    %gt3A_702 = vector.broadcast %select_n3A_452 : i32 to vector<160x128xi32>
    %gt3A_703 = arith.cmpi sgt, %select_n3A, %gt3A_702 : vector<160x128xi32>
    %eq3A_704 = vector.broadcast %select_n3A_452 : i32 to vector<160x128xi32>
    %eq3A_705 = arith.cmpi eq, %select_n3A, %eq3A_704 : vector<160x128xi32>
    %ge3A_706 = vector.broadcast %or3A_701 : i32 to vector<160x128xi32>
    %ge3A_707 = arith.cmpi sge, %sub3A_38, %ge3A_706 : vector<160x128xi32>
    %and3A_708 = arith.andi %eq3A_705, %ge3A_707 : vector<160x128xi1>
    %or3A_709 = arith.ori %gt3A_703, %and3A_708 : vector<160x128xi1>
    %convert_element_type3A_710 = arith.extui %or3A_709 : vector<160x128xi1> to vector<160x128xi32>
    %reduce_sum3A_711 = vector.shape_cast %convert_element_type3A_710 : vector<160x128xi32> to vector<1x160x128xi32>
    %reduce_sum3A_712 = arith.constant dense<0> : vector<1xi32>
    %reduce_sum3A_713 = vector.multi_reduction <add>, %reduce_sum3A_711, %reduce_sum3A_712 [1, 2] : vector<1x160x128xi32> to vector<1xi32>
    %reduce_sum3A_714 = vector.shape_cast %reduce_sum3A_713 : vector<1xi32> to vector<1x1x1xi32>
    %reduce_sum3A_715 = vector.extract %reduce_sum3A_714[0, 0, 0] : i32 from vector<1x1x1xi32>
    %ge3A_716 = arith.constant 6000 : i32
    %ge3A_717 = arith.cmpi sge, %reduce_sum3A_715, %ge3A_716 : i32
    %select_n3A_718 = arith.select %ge3A_717, %or3A_701, %select_n3A_699 : i32
    %or3A_719 = arith.constant 1 : i32
    %or3A_720 = arith.ori %select_n3A_718, %or3A_719 : i32
    %gt3A_721 = vector.broadcast %select_n3A_452 : i32 to vector<160x128xi32>
    %gt3A_722 = arith.cmpi sgt, %select_n3A, %gt3A_721 : vector<160x128xi32>
    %eq3A_723 = vector.broadcast %select_n3A_452 : i32 to vector<160x128xi32>
    %eq3A_724 = arith.cmpi eq, %select_n3A, %eq3A_723 : vector<160x128xi32>
    %ge3A_725 = vector.broadcast %or3A_720 : i32 to vector<160x128xi32>
    %ge3A_726 = arith.cmpi sge, %sub3A_38, %ge3A_725 : vector<160x128xi32>
    %and3A_727 = arith.andi %eq3A_724, %ge3A_726 : vector<160x128xi1>
    %or3A_728 = arith.ori %gt3A_722, %and3A_727 : vector<160x128xi1>
    %convert_element_type3A_729 = arith.extui %or3A_728 : vector<160x128xi1> to vector<160x128xi32>
    %reduce_sum3A_730 = vector.shape_cast %convert_element_type3A_729 : vector<160x128xi32> to vector<1x160x128xi32>
    %reduce_sum3A_731 = arith.constant dense<0> : vector<1xi32>
    %reduce_sum3A_732 = vector.multi_reduction <add>, %reduce_sum3A_730, %reduce_sum3A_731 [1, 2] : vector<1x160x128xi32> to vector<1xi32>
    %reduce_sum3A_733 = vector.shape_cast %reduce_sum3A_732 : vector<1xi32> to vector<1x1x1xi32>
    %reduce_sum3A_734 = vector.extract %reduce_sum3A_733[0, 0, 0] : i32 from vector<1x1x1xi32>
    %ge3A_735 = arith.constant 6000 : i32
    %ge3A_736 = arith.cmpi sge, %reduce_sum3A_734, %ge3A_735 : i32
    %select_n3A_737 = arith.select %ge3A_736, %or3A_720, %select_n3A_718 : i32
    %gt3A_738 = vector.broadcast %select_n3A_452 : i32 to vector<160x128xi32>
    %gt3A_739 = arith.cmpi sgt, %select_n3A, %gt3A_738 : vector<160x128xi32>
    %eq3A_740 = vector.broadcast %select_n3A_452 : i32 to vector<160x128xi32>
    %eq3A_741 = arith.cmpi eq, %select_n3A, %eq3A_740 : vector<160x128xi32>
    %ge3A_742 = vector.broadcast %select_n3A_737 : i32 to vector<160x128xi32>
    %ge3A_743 = arith.cmpi sge, %sub3A_38, %ge3A_742 : vector<160x128xi32>
    %and3A_744 = arith.andi %eq3A_741, %ge3A_743 : vector<160x128xi1>
    %or3A_745 = arith.ori %gt3A_739, %and3A_744 : vector<160x128xi1>
    %convert_element_type3A_746 = arith.extui %or3A_745 : vector<160x128xi1> to vector<160x128xi32>
    %convert_element_type3A_747 = arith.sitofp %convert_element_type3A_746 : vector<160x128xi32> to vector<160x128xf32>
    %convert_element_type3A_748 = arith.truncf %convert_element_type3A_747 : vector<160x128xf32> to vector<160x128xbf16>
    %iota3A_749 = tpu.iota {dimensions = array<i32: 0>} : vector<128x128xi32>
    %iota3A_750 = tpu.iota {dimensions = array<i32: 1>} : vector<128x128xi32>
    %lt3A_751 = arith.cmpi slt, %iota3A_749, %iota3A_750 : vector<128x128xi32>
    %convert_element_type3A_752 = arith.extui %lt3A_751 : vector<128x128xi1> to vector<128x128xi32>
    %convert_element_type3A_753 = arith.sitofp %convert_element_type3A_752 : vector<128x128xi32> to vector<128x128xf32>
    %convert_element_type3A_754 = arith.truncf %convert_element_type3A_753 : vector<128x128xf32> to vector<128x128xbf16>
    %dot_general3A = arith.constant dense<0.000000e+00> : vector<160x128xf32>
    %dot_general3A_755 = tpu.matmul %convert_element_type3A_748, %convert_element_type3A_754, %dot_general3A {dimension_numbers = #tpu.dot_dimension_numbers<[1], [0], [0], [1], [0, 0, 1, 1], [], []>, transpose_lhs_hint = false} : vector<160x128xbf16>, vector<128x128xbf16>, vector<160x128xf32> -> vector<160x128xf32>
    %convert_element_type3A_756 = arith.extui %or3A_745 : vector<160x128xi1> to vector<160x128xi32>
    %convert_element_type3A_757 = arith.sitofp %convert_element_type3A_756 : vector<160x128xi32> to vector<160x128xf32>
    %reduce_sum3A_758 = arith.constant dense<0.000000e+00> : vector<160xf32>
    %reduce_sum3A_759 = vector.multi_reduction <add>, %convert_element_type3A_757, %reduce_sum3A_758 [1] : vector<160x128xf32> to vector<160xf32>
    %broadcast_in_dim3A_760 = vector.shape_cast %reduce_sum3A_759 : vector<160xf32> to vector<160x1xf32>
    %iota3A_761 = tpu.iota {dimensions = array<i32: 0>} : vector<160x160xi32>
    %iota3A_762 = tpu.iota {dimensions = array<i32: 1>} : vector<160x160xi32>
    %gt3A_763 = arith.cmpi sgt, %iota3A_761, %iota3A_762 : vector<160x160xi32>
    %convert_element_type3A_764 = arith.extui %gt3A_763 : vector<160x160xi1> to vector<160x160xi32>
    %convert_element_type3A_765 = arith.sitofp %convert_element_type3A_764 : vector<160x160xi32> to vector<160x160xf32>
    %convert_element_type3A_766 = arith.truncf %convert_element_type3A_765 : vector<160x160xf32> to vector<160x160xbf16>
    %convert_element_type3A_767 = arith.truncf %broadcast_in_dim3A_760 : vector<160x1xf32> to vector<160x1xbf16>
    %dot_general3A_768 = arith.constant dense<0.000000e+00> : vector<160x1xf32>
    %dot_general3A_769 = tpu.matmul %convert_element_type3A_766, %convert_element_type3A_767, %dot_general3A_768 {dimension_numbers = #tpu.dot_dimension_numbers<[1], [0], [0], [1], [0, 0, 1, 1], [], []>, transpose_lhs_hint = false} : vector<160x160xbf16>, vector<160x1xbf16>, vector<160x1xf32> -> vector<160x1xf32>
    %add3A_770 = vector.broadcast %dot_general3A_769 : vector<160x1xf32> to vector<160x128xf32>
    %add3A_771 = arith.addf %add3A_770, %dot_general3A_755 : vector<160x128xf32>
    %convert_element_type3A_772 = arith.fptosi %add3A_771 : vector<160x128xf32> to vector<160x128xi32>
    %add3A_773 = arith.constant 6144 : i32
    %add3A_774 = vector.broadcast %add3A_773 : i32 to vector<160x128xi32>
    %add3A_775 = arith.addi %add3A_774, %add3A : vector<160x128xi32>
    %sub3A_776 = arith.subi %add3A_775, %convert_element_type3A_772 : vector<160x128xi32>
    %select_n3A_777 = arith.select %or3A_745, %convert_element_type3A_772, %sub3A_776 : vector<160x128xi1>, vector<160x128xi32>
    %swap3A = arith.constant 0 : index
    %swap3A_778 = arith.constant 0 : index
    %swap3A_779 = vector.load %arg5[%swap3A, %swap3A_778] : memref<160x128xf32, #tpu.memory_space<vmem>>, vector<160x128xf32>
    tpu.vector_store %arg5[%swap3A, %swap3A_778], %min3A {strides = array<i32>} : memref<160x128xf32, #tpu.memory_space<vmem>>, vector<160x128xf32>,
    %swap3A_780 = arith.constant 0 : index
    %swap3A_781 = arith.constant 0 : index
    %swap3A_782 = vector.load %arg6[%swap3A_780, %swap3A_781] : memref<160x128xf32, #tpu.memory_space<vmem>>, vector<160x128xf32>
    tpu.vector_store %arg6[%swap3A_780, %swap3A_781], %min3A_28 {strides = array<i32>} : memref<160x128xf32, #tpu.memory_space<vmem>>, vector<160x128xf32>,
    %swap3A_783 = arith.constant 0 : index
    %swap3A_784 = arith.constant 0 : index
    %swap3A_785 = vector.load %arg7[%swap3A_783, %swap3A_784] : memref<160x128xf32, #tpu.memory_space<vmem>>, vector<160x128xf32>
    tpu.vector_store %arg7[%swap3A_783, %swap3A_784], %max3A {strides = array<i32>} : memref<160x128xf32, #tpu.memory_space<vmem>>, vector<160x128xf32>,
    %swap3A_786 = arith.constant 0 : index
    %swap3A_787 = arith.constant 0 : index
    %swap3A_788 = vector.load %arg8[%swap3A_786, %swap3A_787] : memref<160x128xf32, #tpu.memory_space<vmem>>, vector<160x128xf32>
    tpu.vector_store %arg8[%swap3A_786, %swap3A_787], %max3A_29 {strides = array<i32>} : memref<160x128xf32, #tpu.memory_space<vmem>>, vector<160x128xf32>,
    %swap3A_789 = arith.constant 0 : index
    %swap3A_790 = arith.constant 0 : index
    %swap3A_791 = vector.load %arg9[%swap3A_789, %swap3A_790] : memref<160x128xi32, #tpu.memory_space<vmem>>, vector<160x128xi32>
    tpu.vector_store %arg9[%swap3A_789, %swap3A_790], %select_n3A_777 {strides = array<i32>} : memref<160x128xi32, #tpu.memory_space<vmem>>, vector<160x128xi32>,
    return
  }
}

module attributes {stable_mosaic.version = 14 : i64} {
  func.func @_nms_body(%arg0: memref<48x128xf32, #tpu.memory_space<vmem>>, %arg1: memref<48x128xf32, #tpu.memory_space<vmem>>, %arg2: memref<48x128xf32, #tpu.memory_space<vmem>>, %arg3: memref<48x128xf32, #tpu.memory_space<vmem>>, %arg4: memref<48x128xf32, #tpu.memory_space<vmem>>, %arg5: memref<300x128xf32, #tpu.memory_space<vmem>>) attributes {dimension_semantics = [], scalar_prefetch = 0 : i64, scratch_operands = 0 : i64, tpu.core_type = #tpu.core_type<tc>} {
    %iota3A = tpu.iota {dimensions = array<i32: 0>} : vector<48x128xi32>
    %iota3A_0 = tpu.iota {dimensions = array<i32: 1>} : vector<48x128xi32>
    %mul3A = arith.constant 128 : i32
    %mul3A_1 = vector.broadcast %mul3A : i32 to vector<48x128xi32>
    %mul3A_2 = arith.muli %iota3A, %mul3A_1 : vector<48x128xi32>
    %add3A = arith.addi %mul3A_2, %iota3A_0 : vector<48x128xi32>
    %iota3A_3 = tpu.iota {dimensions = array<i32: 1>} : vector<1x128xi32>
    %get3A = arith.constant 0 : index
    %get3A_4 = arith.constant 0 : index
    %get3A_5 = vector.load %arg0[%get3A, %get3A_4] : memref<48x128xf32, #tpu.memory_space<vmem>>, vector<48x128xf32>
    %get3A_6 = arith.constant 0 : index
    %get3A_7 = arith.constant 0 : index
    %get3A_8 = vector.load %arg1[%get3A_6, %get3A_7] : memref<48x128xf32, #tpu.memory_space<vmem>>, vector<48x128xf32>
    %get3A_9 = arith.constant 0 : index
    %get3A_10 = arith.constant 0 : index
    %get3A_11 = vector.load %arg2[%get3A_9, %get3A_10] : memref<48x128xf32, #tpu.memory_space<vmem>>, vector<48x128xf32>
    %get3A_12 = arith.constant 0 : index
    %get3A_13 = arith.constant 0 : index
    %get3A_14 = vector.load %arg3[%get3A_12, %get3A_13] : memref<48x128xf32, #tpu.memory_space<vmem>>, vector<48x128xf32>
    %lt3A = arith.constant 6000 : i32
    %lt3A_15 = vector.broadcast %lt3A : i32 to vector<48x128xi32>
    %lt3A_16 = arith.cmpi slt, %add3A, %lt3A_15 : vector<48x128xi32>
    %get3A_17 = arith.constant 0 : index
    %get3A_18 = arith.constant 0 : index
    %get3A_19 = vector.load %arg4[%get3A_17, %get3A_18] : memref<48x128xf32, #tpu.memory_space<vmem>>, vector<48x128xf32>
    %jit3A = arith.constant -1.000000e+09 : f32
    %broadcast_in_dim3A = vector.broadcast %jit3A : f32 to vector<48x128xf32>
    %select_n3A = arith.select %lt3A_16, %get3A_19, %broadcast_in_dim3A : vector<48x128xi1>, vector<48x128xf32>
    %sub3A = arith.subf %get3A_11, %get3A_5 : vector<48x128xf32>
    %sub3A_20 = arith.subf %get3A_14, %get3A_8 : vector<48x128xf32>
    %mul3A_21 = arith.mulf %sub3A, %sub3A_20 : vector<48x128xf32>
    %scan3A = arith.constant 0xFF800000 : f32
    %scan3A_22 = arith.constant 0.000000e+00 : f32
    %scan3A_23 = arith.constant 0.000000e+00 : f32
    %scan3A_24 = arith.constant 0.000000e+00 : f32
    %scan3A_25 = arith.constant 0.000000e+00 : f32
    %scan3A_26 = arith.constant 0.000000e+00 : f32
    %scan3A_27 = arith.constant 0 : i32
    %scan3A_28 = arith.constant 300 : i32
    %scan3A_29 = arith.addi %scan3A_27, %scan3A_28 : i32
    %scan3A_30 = arith.constant 1 : i32
    %scan3A_31:6 = scf.for %scan3A_33 = %scan3A_27 to %scan3A_29 step %scan3A_30 iter_args(%scan3A_34 = %select_n3A, %scan3A_35 = %scan3A_22, %scan3A_36 = %scan3A_23, %scan3A_37 = %scan3A_24, %scan3A_38 = %scan3A_25, %scan3A_39 = %scan3A_26) -> (vector<48x128xf32>, f32, f32, f32, f32, f32)  : i32 {
      %reduce_max3A = vector.shape_cast %scan3A_34 : vector<48x128xf32> to vector<1x48x128xf32>
      %reduce_max3A_40 = arith.constant dense<0xFF800000> : vector<1xf32>
      %reduce_max3A_41 = vector.multi_reduction <maximumf>, %reduce_max3A, %reduce_max3A_40 [1, 2] : vector<1x48x128xf32> to vector<1xf32>
      %reduce_max3A_42 = vector.shape_cast %reduce_max3A_41 : vector<1xf32> to vector<1x1x1xf32>
      %reduce_max3A_43 = vector.extract %reduce_max3A_42[0, 0, 0] : f32 from vector<1x1x1xf32>
      %eq3A = vector.broadcast %reduce_max3A_43 : f32 to vector<48x128xf32>
      %eq3A_44 = arith.cmpf oeq, %scan3A_34, %eq3A : vector<48x128xf32>
      %jit3A_45 = arith.constant 6144 : i32
      %broadcast_in_dim3A_46 = vector.broadcast %jit3A_45 : i32 to vector<48x128xi32>
      %select_n3A_47 = arith.select %eq3A_44, %add3A, %broadcast_in_dim3A_46 : vector<48x128xi1>, vector<48x128xi32>
      %reduce_min3A = vector.shape_cast %select_n3A_47 : vector<48x128xi32> to vector<1x48x128xi32>
      %reduce_min3A_48 = arith.constant dense<2147483647> : vector<1xi32>
      %reduce_min3A_49 = vector.multi_reduction <minsi>, %reduce_min3A, %reduce_min3A_48 [1, 2] : vector<1x48x128xi32> to vector<1xi32>
      %reduce_min3A_50 = vector.shape_cast %reduce_min3A_49 : vector<1xi32> to vector<1x1x1xi32>
      %reduce_min3A_51 = vector.extract %reduce_min3A_50[0, 0, 0] : i32 from vector<1x1x1xi32>
      %eq3A_52 = vector.broadcast %reduce_min3A_51 : i32 to vector<48x128xi32>
      %eq3A_53 = arith.cmpi eq, %add3A, %eq3A_52 : vector<48x128xi32>
      %jit3A_54 = arith.constant 128 : i32
      %div3A = arith.divsi %reduce_min3A_51, %jit3A_54 : i32
      %sign3A = arith.constant 0 : i32
      %sign3A_55 = arith.cmpi sgt, %reduce_min3A_51, %sign3A : i32
      %sign3A_56 = arith.extui %sign3A_55 : i1 to i32
      %sign3A_57 = arith.constant 0 : i32
      %sign3A_58 = arith.cmpi slt, %reduce_min3A_51, %sign3A_57 : i32
      %sign3A_59 = arith.extui %sign3A_58 : i1 to i32
      %sign3A_60 = arith.subi %sign3A_56, %sign3A_59 : i32
      %sign3A_61 = arith.constant 0 : i32
      %sign3A_62 = arith.cmpi sgt, %jit3A_54, %sign3A_61 : i32
      %sign3A_63 = arith.extui %sign3A_62 : i1 to i32
      %sign3A_64 = arith.constant 0 : i32
      %sign3A_65 = arith.cmpi slt, %jit3A_54, %sign3A_64 : i32
      %sign3A_66 = arith.extui %sign3A_65 : i1 to i32
      %sign3A_67 = arith.subi %sign3A_63, %sign3A_66 : i32
      %ne3A = arith.cmpi ne, %sign3A_60, %sign3A_67 : i32
      %rem3A = arith.remsi %reduce_min3A_51, %jit3A_54 : i32
      %ne3A_68 = arith.constant 0 : i32
      %ne3A_69 = arith.cmpi ne, %rem3A, %ne3A_68 : i32
      %and3A = arith.andi %ne3A, %ne3A_69 : i1
      %sub3A_70 = arith.constant 1 : i32
      %sub3A_71 = arith.subi %div3A, %sub3A_70 : i32
      %select_n3A_72 = arith.select %and3A, %sub3A_71, %div3A : i32
      %mul3A_73 = arith.constant 128 : i32
      %mul3A_74 = arith.muli %select_n3A_72, %mul3A_73 : i32
      %sub3A_75 = arith.subi %reduce_min3A_51, %mul3A_74 : i32
      %eq3A_76 = vector.broadcast %sub3A_75 : i32 to vector<1x128xi32>
      %eq3A_77 = arith.cmpi eq, %iota3A_3, %eq3A_76 : vector<1x128xi32>
      %get3A_78 = arith.index_cast %select_n3A_72 : i32 to index
      %get3A_79 = arith.constant 0 : index
      %get3A_80 = vector.load %arg0[%get3A_78, %get3A_79] : memref<48x128xf32, #tpu.memory_space<vmem>>, vector<1x128xf32>
      %broadcast_in_dim3A_81 = vector.broadcast %scan3A : f32 to vector<1x128xf32>
      %select_n3A_82 = arith.select %eq3A_77, %get3A_80, %broadcast_in_dim3A_81 : vector<1x128xi1>, vector<1x128xf32>
      %reduce_max3A_83 = vector.shape_cast %select_n3A_82 : vector<1x128xf32> to vector<1x1x128xf32>
      %reduce_max3A_84 = arith.constant dense<0xFF800000> : vector<1xf32>
      %reduce_max3A_85 = vector.multi_reduction <maximumf>, %reduce_max3A_83, %reduce_max3A_84 [1, 2] : vector<1x1x128xf32> to vector<1xf32>
      %reduce_max3A_86 = vector.shape_cast %reduce_max3A_85 : vector<1xf32> to vector<1x1x1xf32>
      %reduce_max3A_87 = vector.extract %reduce_max3A_86[0, 0, 0] : f32 from vector<1x1x1xf32>
      %get3A_88 = arith.index_cast %select_n3A_72 : i32 to index
      %get3A_89 = arith.constant 0 : index
      %get3A_90 = vector.load %arg1[%get3A_88, %get3A_89] : memref<48x128xf32, #tpu.memory_space<vmem>>, vector<1x128xf32>
      %broadcast_in_dim3A_91 = vector.broadcast %scan3A : f32 to vector<1x128xf32>
      %select_n3A_92 = arith.select %eq3A_77, %get3A_90, %broadcast_in_dim3A_91 : vector<1x128xi1>, vector<1x128xf32>
      %reduce_max3A_93 = vector.shape_cast %select_n3A_92 : vector<1x128xf32> to vector<1x1x128xf32>
      %reduce_max3A_94 = arith.constant dense<0xFF800000> : vector<1xf32>
      %reduce_max3A_95 = vector.multi_reduction <maximumf>, %reduce_max3A_93, %reduce_max3A_94 [1, 2] : vector<1x1x128xf32> to vector<1xf32>
      %reduce_max3A_96 = vector.shape_cast %reduce_max3A_95 : vector<1xf32> to vector<1x1x1xf32>
      %reduce_max3A_97 = vector.extract %reduce_max3A_96[0, 0, 0] : f32 from vector<1x1x1xf32>
      %get3A_98 = arith.index_cast %select_n3A_72 : i32 to index
      %get3A_99 = arith.constant 0 : index
      %get3A_100 = vector.load %arg2[%get3A_98, %get3A_99] : memref<48x128xf32, #tpu.memory_space<vmem>>, vector<1x128xf32>
      %broadcast_in_dim3A_101 = vector.broadcast %scan3A : f32 to vector<1x128xf32>
      %select_n3A_102 = arith.select %eq3A_77, %get3A_100, %broadcast_in_dim3A_101 : vector<1x128xi1>, vector<1x128xf32>
      %reduce_max3A_103 = vector.shape_cast %select_n3A_102 : vector<1x128xf32> to vector<1x1x128xf32>
      %reduce_max3A_104 = arith.constant dense<0xFF800000> : vector<1xf32>
      %reduce_max3A_105 = vector.multi_reduction <maximumf>, %reduce_max3A_103, %reduce_max3A_104 [1, 2] : vector<1x1x128xf32> to vector<1xf32>
      %reduce_max3A_106 = vector.shape_cast %reduce_max3A_105 : vector<1xf32> to vector<1x1x1xf32>
      %reduce_max3A_107 = vector.extract %reduce_max3A_106[0, 0, 0] : f32 from vector<1x1x1xf32>
      %get3A_108 = arith.index_cast %select_n3A_72 : i32 to index
      %get3A_109 = arith.constant 0 : index
      %get3A_110 = vector.load %arg3[%get3A_108, %get3A_109] : memref<48x128xf32, #tpu.memory_space<vmem>>, vector<1x128xf32>
      %broadcast_in_dim3A_111 = vector.broadcast %scan3A : f32 to vector<1x128xf32>
      %select_n3A_112 = arith.select %eq3A_77, %get3A_110, %broadcast_in_dim3A_111 : vector<1x128xi1>, vector<1x128xf32>
      %reduce_max3A_113 = vector.shape_cast %select_n3A_112 : vector<1x128xf32> to vector<1x1x128xf32>
      %reduce_max3A_114 = arith.constant dense<0xFF800000> : vector<1xf32>
      %reduce_max3A_115 = vector.multi_reduction <maximumf>, %reduce_max3A_113, %reduce_max3A_114 [1, 2] : vector<1x1x128xf32> to vector<1xf32>
      %reduce_max3A_116 = vector.shape_cast %reduce_max3A_115 : vector<1xf32> to vector<1x1x1xf32>
      %reduce_max3A_117 = vector.extract %reduce_max3A_116[0, 0, 0] : f32 from vector<1x1x1xf32>
      %get3A_118 = arith.index_cast %select_n3A_72 : i32 to index
      %get3A_119 = arith.constant 0 : index
      %get3A_120 = vector.load %arg4[%get3A_118, %get3A_119] : memref<48x128xf32, #tpu.memory_space<vmem>>, vector<1x128xf32>
      %broadcast_in_dim3A_121 = vector.broadcast %scan3A : f32 to vector<1x128xf32>
      %select_n3A_122 = arith.select %eq3A_77, %get3A_120, %broadcast_in_dim3A_121 : vector<1x128xi1>, vector<1x128xf32>
      %reduce_max3A_123 = vector.shape_cast %select_n3A_122 : vector<1x128xf32> to vector<1x1x128xf32>
      %reduce_max3A_124 = arith.constant dense<0xFF800000> : vector<1xf32>
      %reduce_max3A_125 = vector.multi_reduction <maximumf>, %reduce_max3A_123, %reduce_max3A_124 [1, 2] : vector<1x1x128xf32> to vector<1xf32>
      %reduce_max3A_126 = vector.shape_cast %reduce_max3A_125 : vector<1xf32> to vector<1x1x1xf32>
      %reduce_max3A_127 = vector.extract %reduce_max3A_126[0, 0, 0] : f32 from vector<1x1x1xf32>
      %eq3A_128 = arith.constant -1.000000e+09 : f32
      %eq3A_129 = arith.cmpf oeq, %reduce_max3A_43, %eq3A_128 : f32
      %eq3A_130 = arith.constant 0 : i32
      %eq3A_131 = arith.cmpi eq, %scan3A_33, %eq3A_130 : i32
      %select_n3A_132 = arith.select %eq3A_131, %reduce_max3A_87, %scan3A_35 : f32
      %eq3A_133 = arith.constant 0 : i32
      %eq3A_134 = arith.cmpi eq, %scan3A_33, %eq3A_133 : i32
      %select_n3A_135 = arith.select %eq3A_134, %reduce_max3A_97, %scan3A_36 : f32
      %eq3A_136 = arith.constant 0 : i32
      %eq3A_137 = arith.cmpi eq, %scan3A_33, %eq3A_136 : i32
      %select_n3A_138 = arith.select %eq3A_137, %reduce_max3A_107, %scan3A_37 : f32
      %eq3A_139 = arith.constant 0 : i32
      %eq3A_140 = arith.cmpi eq, %scan3A_33, %eq3A_139 : i32
      %select_n3A_141 = arith.select %eq3A_140, %reduce_max3A_117, %scan3A_38 : f32
      %eq3A_142 = arith.constant 0 : i32
      %eq3A_143 = arith.cmpi eq, %scan3A_33, %eq3A_142 : i32
      %select_n3A_144 = arith.select %eq3A_143, %reduce_max3A_127, %scan3A_39 : f32
      %select_n3A_145 = arith.select %eq3A_129, %select_n3A_132, %reduce_max3A_87 : f32
      %select_n3A_146 = arith.select %eq3A_129, %select_n3A_135, %reduce_max3A_97 : f32
      %select_n3A_147 = arith.select %eq3A_129, %select_n3A_138, %reduce_max3A_107 : f32
      %select_n3A_148 = arith.select %eq3A_129, %select_n3A_141, %reduce_max3A_117 : f32
      %select_n3A_149 = arith.select %eq3A_129, %select_n3A_144, %reduce_max3A_127 : f32
      %max3A = vector.broadcast %select_n3A_145 : f32 to vector<48x128xf32>
      %max3A_150 = arith.maximumf %max3A, %get3A_5 : vector<48x128xf32>
      %max3A_151 = vector.broadcast %select_n3A_146 : f32 to vector<48x128xf32>
      %max3A_152 = arith.maximumf %max3A_151, %get3A_8 : vector<48x128xf32>
      %min3A = vector.broadcast %select_n3A_147 : f32 to vector<48x128xf32>
      %min3A_153 = arith.minimumf %min3A, %get3A_11 : vector<48x128xf32>
      %min3A_154 = vector.broadcast %select_n3A_148 : f32 to vector<48x128xf32>
      %min3A_155 = arith.minimumf %min3A_154, %get3A_14 : vector<48x128xf32>
      %sub3A_156 = arith.subf %min3A_153, %max3A_150 : vector<48x128xf32>
      %max3A_157 = arith.constant 0.000000e+00 : f32
      %max3A_158 = vector.broadcast %max3A_157 : f32 to vector<48x128xf32>
      %max3A_159 = arith.maximumf %sub3A_156, %max3A_158 : vector<48x128xf32>
      %sub3A_160 = arith.subf %min3A_155, %max3A_152 : vector<48x128xf32>
      %max3A_161 = arith.constant 0.000000e+00 : f32
      %max3A_162 = vector.broadcast %max3A_161 : f32 to vector<48x128xf32>
      %max3A_163 = arith.maximumf %sub3A_160, %max3A_162 : vector<48x128xf32>
      %mul3A_164 = arith.mulf %max3A_159, %max3A_163 : vector<48x128xf32>
      %sub3A_165 = arith.subf %select_n3A_147, %select_n3A_145 : f32
      %sub3A_166 = arith.subf %select_n3A_148, %select_n3A_146 : f32
      %mul3A_167 = arith.mulf %sub3A_165, %sub3A_166 : f32
      %add3A_168 = vector.broadcast %mul3A_167 : f32 to vector<48x128xf32>
      %add3A_169 = arith.addf %mul3A_21, %add3A_168 : vector<48x128xf32>
      %sub3A_170 = arith.subf %add3A_169, %mul3A_164 : vector<48x128xf32>
      %add3A_171 = arith.constant 9.99999971E-10 : f32
      %add3A_172 = vector.broadcast %add3A_171 : f32 to vector<48x128xf32>
      %add3A_173 = arith.addf %sub3A_170, %add3A_172 : vector<48x128xf32>
      %div3A_174 = arith.divf %mul3A_164, %add3A_173 : vector<48x128xf32>
      %gt3A = arith.constant 0.699999988 : f32
      %gt3A_175 = vector.broadcast %gt3A : f32 to vector<48x128xf32>
      %gt3A_176 = arith.cmpf ogt, %div3A_174, %gt3A_175 : vector<48x128xf32>
      %or3A = arith.ori %gt3A_176, %eq3A_53 : vector<48x128xi1>
      %jit3A_177 = arith.constant -1.000000e+09 : f32
      %broadcast_in_dim3A_178 = vector.broadcast %jit3A_177 : f32 to vector<48x128xf32>
      %select_n3A_179 = arith.select %or3A, %broadcast_in_dim3A_178, %scan3A_34 : vector<48x128xi1>, vector<48x128xf32>
      %eq3A_180 = arith.constant 0 : i32
      %eq3A_181 = vector.broadcast %eq3A_180 : i32 to vector<1x128xi32>
      %eq3A_182 = arith.cmpi eq, %iota3A_3, %eq3A_181 : vector<1x128xi32>
      %jit3A_183 = arith.constant 0.000000e+00 : f32
      %broadcast_in_dim3A_184 = vector.broadcast %select_n3A_145 : f32 to vector<1x128xf32>
      %broadcast_in_dim3A_185 = vector.broadcast %jit3A_183 : f32 to vector<1x128xf32>
      %select_n3A_186 = arith.select %eq3A_182, %broadcast_in_dim3A_184, %broadcast_in_dim3A_185 : vector<1x128xi1>, vector<1x128xf32>
      %eq3A_187 = arith.constant 1 : i32
      %eq3A_188 = vector.broadcast %eq3A_187 : i32 to vector<1x128xi32>
      %eq3A_189 = arith.cmpi eq, %iota3A_3, %eq3A_188 : vector<1x128xi32>
      %jit3A_190 = arith.constant 0.000000e+00 : f32
      %broadcast_in_dim3A_191 = vector.broadcast %select_n3A_146 : f32 to vector<1x128xf32>
      %broadcast_in_dim3A_192 = vector.broadcast %jit3A_190 : f32 to vector<1x128xf32>
      %select_n3A_193 = arith.select %eq3A_189, %broadcast_in_dim3A_191, %broadcast_in_dim3A_192 : vector<1x128xi1>, vector<1x128xf32>
      %add3A_194 = arith.addf %select_n3A_186, %select_n3A_193 : vector<1x128xf32>
      %eq3A_195 = arith.constant 2 : i32
      %eq3A_196 = vector.broadcast %eq3A_195 : i32 to vector<1x128xi32>
      %eq3A_197 = arith.cmpi eq, %iota3A_3, %eq3A_196 : vector<1x128xi32>
      %jit3A_198 = arith.constant 0.000000e+00 : f32
      %broadcast_in_dim3A_199 = vector.broadcast %select_n3A_147 : f32 to vector<1x128xf32>
      %broadcast_in_dim3A_200 = vector.broadcast %jit3A_198 : f32 to vector<1x128xf32>
      %select_n3A_201 = arith.select %eq3A_197, %broadcast_in_dim3A_199, %broadcast_in_dim3A_200 : vector<1x128xi1>, vector<1x128xf32>
      %add3A_202 = arith.addf %add3A_194, %select_n3A_201 : vector<1x128xf32>
      %eq3A_203 = arith.constant 3 : i32
      %eq3A_204 = vector.broadcast %eq3A_203 : i32 to vector<1x128xi32>
      %eq3A_205 = arith.cmpi eq, %iota3A_3, %eq3A_204 : vector<1x128xi32>
      %jit3A_206 = arith.constant 0.000000e+00 : f32
      %broadcast_in_dim3A_207 = vector.broadcast %select_n3A_148 : f32 to vector<1x128xf32>
      %broadcast_in_dim3A_208 = vector.broadcast %jit3A_206 : f32 to vector<1x128xf32>
      %select_n3A_209 = arith.select %eq3A_205, %broadcast_in_dim3A_207, %broadcast_in_dim3A_208 : vector<1x128xi1>, vector<1x128xf32>
      %add3A_210 = arith.addf %add3A_202, %select_n3A_209 : vector<1x128xf32>
      %eq3A_211 = arith.constant 4 : i32
      %eq3A_212 = vector.broadcast %eq3A_211 : i32 to vector<1x128xi32>
      %eq3A_213 = arith.cmpi eq, %iota3A_3, %eq3A_212 : vector<1x128xi32>
      %jit3A_214 = arith.constant 0.000000e+00 : f32
      %broadcast_in_dim3A_215 = vector.broadcast %select_n3A_149 : f32 to vector<1x128xf32>
      %broadcast_in_dim3A_216 = vector.broadcast %jit3A_214 : f32 to vector<1x128xf32>
      %select_n3A_217 = arith.select %eq3A_213, %broadcast_in_dim3A_215, %broadcast_in_dim3A_216 : vector<1x128xi1>, vector<1x128xf32>
      %add3A_218 = arith.addf %add3A_210, %select_n3A_217 : vector<1x128xf32>
      %swap3A = arith.index_cast %scan3A_33 : i32 to index
      %swap3A_219 = arith.constant 0 : index
      %swap3A_220 = vector.load %arg5[%swap3A, %swap3A_219] : memref<300x128xf32, #tpu.memory_space<vmem>>, vector<1x128xf32>
      tpu.vector_store %arg5[%swap3A, %swap3A_219], %add3A_218 {strides = array<i32>} : memref<300x128xf32, #tpu.memory_space<vmem>>, vector<1x128xf32>,
      scf.yield %select_n3A_179, %select_n3A_132, %select_n3A_135, %select_n3A_138, %select_n3A_141, %select_n3A_144 : vector<48x128xf32>, f32, f32, f32, f32, f32
    }
    %scan3A_32 = arith.constant 300 : i32
    return
  }
}

</mosaic_0001>

<sc_bundles>
// kernel: kernel.5.cloned.1.call-start
scs
__scs_entry_jumppad:
0x0: {  	(pc) =	sbr.rel $0x88, $3  }
0x1: {  	(tag) =	ssettag $0x0;
	lr =	simm.s32 $0x1  }
0x2: {  	[smem:$0x3F9F] =	sst lr;
	_ =	strace $0xD0000000  }
0x3: {  	_ = 	snop  }
0x4: {  	_ = 	snop  }
0x5: {  	_ = 	snop  }
0x6: {  	_ = 	snop  }
0x7: {  	_ = 	snop  }
__scs_overlays_trampoline_lowered:
0x8: {  	[smem:$0x3FAE] =	sst s0  }
0x9: {  	[smem:$0x3FAF] =	sst s1  }
0xa: {  	[smem:$0x3FB0] =	sst s2  }
0xb: {  	[smem:$0x3FB1] =	sst s3  }
0xc: {  	[smem:$0x3FB2] =	sst s4  }
0xd: {  	[smem:$0x3FB3] =	sst s5  }
0xe: {  	[smem:$0x3FB4] =	sst s6  }
0xf: {  	[smem:$0x3FB5] =	sst s7  }
0x10: {  	[smem:$0x3FB6] =	sst s8  }
0x11: {  	[smem:$0x3FB7] =	sst s9;
	s0 =	simm.s32 @!p0 $0x0  }
0x12: {  	s1 =	sld [smem:$0x3F9D];
	s0 =	simm.s32 @p0 $0x1  }
0x13: {  	[smem:$0x3FB8] =	sst s0;
	s0 =	simm.s32 @!p1 $0x0  }
0x14: {  	s2 =	sld [smem:$0x3F9C];
	s0 =	simm.s32 @p1 $0x1  }
0x15: {  	[smem:$0x3FB9] =	sst s0;
	s0 =	simm.s32 @!p2 $0x0  }
0x16: {  	s3 =	sld [smem:$0x3FDB];
	s0 =	simm.s32 @p2 $0x1  }
0x17: {  	s4 =	simm.s32 $0x1BF5;
	[smem:$0x3FBB] =	sst s0  }
0x18: {  	s0 =	sld [smem:$0x3F9E];
	_ =	swait.ge [sflag:s4], $0x0  }
0x19: {  	s7 =	sld [smem:$0x3F9F]  }
0x1a: {  	s8 =	sadd.s32 $0xFFFFE003, lr  }
0x1b: {  	s9 =	sadd.s32 $0xFFFFFEF7, lr;
	s5 =	simm.s32 $0xFFFFFFFF;
	p2 =	slt.u32 s8, $0xFFFFF086  }
0x1c: {  	p1 =	slt.u32 s9, $0xF7A;
	s5 =	simm.s32 @!p2 $0x0  }
0x1d: {  	s5 =	simm.s32 @p1 $0x1;
	p0 =	seq.s32 s7, s2  }
0x1e: {  	s7 =	smul.u32 @!p0 $0xF7A, s2;
	p2 =	seq.s32 @!p0 s5, $0x0  }
0x1f: {  	s9 =	smul.u32 $0xF7A, s1;
	s8 =	simm.s32 @!p0 $0x1BF5;
	p2 =	por !p2, p0  }
0x20: {  	[sflag:s8] =	ssyncset.s32 @!p0 $0xFFFFF086;
	s6 =	sadd.s32 @!p0 s3, s7;
	s7 =	simm.s32 @!p0 $0x108  }
0x21: {  	s3 =	sadd.s32 s3, s9;
	s6 =	sadd.s32 @!p0 $0x88, s6;
	s7 =	simm.s32 @p2 $0x1082  }
0x22: {  	[simem:s7], [sflag:s8] =	dma.local @!p0 [hbm:s6], $0xF7A  }
0x23: {  	s9 =	sor.u32 $0xD0000000, s2;
	s6 =	simm.s32 $0x108;
	_ =	swait.ge @!p0 [sflag:s8], $0x0  }
0x24: {  	s3 =	sadd.s32 $0x88, s3;
	s6 =	simm.s32 @!p1 $0x1082;
	[sflag:s4] =	ssyncset.s32 $0xFFFFF086  }
0x25: {  	[simem:s6], [sflag:s4] =	dma.local [hbm:s3], $0xF7A  }
0x26: {  	[smem:$0x3F9F] =	sst s1;
	(tag) =	ssettag s2;
	_ =	strace s9  }
0x27: {  	s1 =	sld [smem:$0x3FAF]  }
0x28: {  	s2 =	sld [smem:$0x3FB0]  }
0x29: {  	s4 =	sld [smem:$0x3FB2]  }
0x2a: {  	p0 =	seq.s32 s5, $0x0;
	s5 =	sld [smem:$0x3FB3]  }
0x2b: {  	s6 =	sld [smem:$0x3FB4]  }
0x2c: {  	s7 =	sld [smem:$0x3FB5]  }
0x2d: {  	s3 =	simm.s32 $0x108;
	s8 =	sld [smem:$0x3FB6]  }
0x2e: {  	s3 =	simm.s32 @!p0 $0x1082;
	s9 =	sld [smem:$0x3FB7]  }
0x2f: {  	lr =	sadd.s32 s0, s3;
	s0 =	sld [smem:$0x3FAE]  }
0x30: {  	s3 =	sld [smem:$0x3FB1]  }
0x31: {  	[smem:$0x3FBA] =	sst s10  }
0x32: {  	s10 =	sld [smem:$0x3FB8];
	_ =	sdelay $0x3  }
0x33: {  	p0 =	seq.s32 s10, $0x1;
	s10 =	sld [smem:$0x3FBA];
	_ =	sdelay $0x3  }
0x34: {  	[smem:$0x3FBA] =	sst s10  }
0x35: {  	s10 =	sld [smem:$0x3FB9];
	_ =	sdelay $0x3  }
0x36: {  	p1 =	seq.s32 s10, $0x1;
	s10 =	sld [smem:$0x3FBA];
	_ =	sdelay $0x3  }
0x37: {  	[smem:$0x3FBA] =	sst s10  }
0x38: {  	s10 =	sld [smem:$0x3FBB]  }
0x39: {  	_ = 	snop;
	(pc) =	sbr.ind lr, $3  }
0x3a: {  	_ = 	snop  }
0x3b: {  	_ = 	snop  }
0x3c: {  	p2 =	seq.s32 s10, $0x1;
	s10 =	sld [smem:$0x3FBA]  }
0x3d: {  	_ =	shalt  }
0x3e: {  	_ =	shalt  }
0x3f: {  	_ =	shalt  }
0x40: {  	_ =	shalt  }
0x41: {  	_ =	shalt  }
0x42: {  	_ =	shalt  }
0x43: {  	_ =	shalt  }
0x44: {  	_ =	shalt  }
0x45: {  	_ =	shalt  }
0x46: {  	_ =	shalt  }
0x47: {  	_ =	shalt  }
0x48: {  	_ =	shalt  }
0x49: {  	_ =	shalt  }
0x4a: {  	_ =	shalt  }
0x4b: {  	_ =	shalt  }
0x4c: {  	_ =	shalt  }
0x4d: {  	_ =	shalt  }
0x4e: {  	_ =	shalt  }
0x4f: {  	_ =	shalt  }
0x50: {  	_ =	shalt  }
0x51: {  	_ =	shalt  }
0x52: {  	_ =	shalt  }
0x53: {  	_ =	shalt  }
0x54: {  	_ =	shalt  }
0x55: {  	_ =	shalt  }
0x56: {  	_ =	shalt  }
0x57: {  	_ =	shalt  }
0x58: {  	_ =	shalt  }
0x59: {  	_ =	shalt  }
0x5a: {  	_ =	shalt  }
0x5b: {  	_ =	shalt  }
0x5c: {  	_ =	shalt  }
0x5d: {  	_ =	shalt  }
0x5e: {  	_ =	shalt  }
0x5f: {  	_ =	shalt  }
0x60: {  	_ =	shalt  }
0x61: {  	_ =	shalt  }
0x62: {  	_ =	shalt  }
0x63: {  	_ =	shalt  }
0x64: {  	_ =	shalt  }
0x65: {  	_ =	shalt  }
0x66: {  	_ =	shalt  }
0x67: {  	_ =	shalt  }
0x68: {  	_ =	shalt  }
0x69: {  	_ =	shalt  }
0x6a: {  	_ =	shalt  }
0x6b: {  	_ =	shalt  }
0x6c: {  	_ =	shalt  }
0x6d: {  	_ =	shalt  }
0x6e: {  	_ =	shalt  }
0x6f: {  	_ =	shalt  }
0x70: {  	_ =	shalt  }
0x71: {  	_ =	shalt  }
0x72: {  	_ =	shalt  }
0x73: {  	_ =	shalt  }
0x74: {  	_ =	shalt  }
0x75: {  	_ =	shalt  }
0x76: {  	_ =	shalt  }
0x77: {  	_ =	shalt  }
0x78: {  	_ =	shalt  }
0x79: {  	_ =	shalt  }
0x7a: {  	_ =	shalt  }
0x7b: {  	_ =	shalt  }
0x7c: {  	_ =	shalt  }
0x7d: {  	_ =	shalt  }
0x7e: {  	_ =	shalt  }
0x7f: {  	_ =	shalt  }
0x80: {  	_ =	shalt  }
0x81: {  	_ =	shalt  }
0x82: {  	_ =	shalt  }
0x83: {  	_ =	shalt  }
0x84: {  	_ =	shalt  }
0x85: {  	_ =	shalt  }
0x86: {  	_ =	shalt  }
0x87: {  	_ =	shalt  }
.Lfunc_end0:
.L_simem_size_0:
called_computation_lowered:
.L_overlay_start_0:
0x88: {  	s2 =	sld [smem:$0x3FD9]  }
0x89: {  	s3 =	sld [smem:$0x3FFE];
	_ =	sdelay $0x1  }
0x8a: {  	s1 =	srdreg.scid  }
0x8b: {  	s0 =	sand.u32 $0x1, s1  }
0x8c: {  	s16 =	sshll.u32 s0, $0xA;
	s2 =	sadd.s32 s3, s2  }
0x8d: {  	s2 =	sadd.s32 s2, s16  }
0x8e: {  	[smem:$0x3FC6] =	sst s2  }
0x8f: {  	_ = 	snop  }
0x90: {  	(tm) =	ssettm $0x1  }
0x91: {  	s17 =	sld [smem:$0x3FFB];
	_ =	sdelay $0x3  }
0x92: {  	_ =	strace s17  }
0x93: {  	s2 =	sld [smem:$0x3FFC];
	_ =	sdelay $0x3  }
0x94: {  	_ =	strace s2  }
0x95: {  	s2 =	sld [smem:$0x3FFD];
	_ =	sdelay $0x3  }
0x96: {  	_ =	strace s2  }
0x97: {  	_ =	strace $0x8FFFFFFF  }
0x98: {  	s18 =	sld [smem:$0x3FDB];
	_ =	sdelay $0x1  }
0x99: {  	s19 =	simm.s32 $_scs_section_size  }
0x9a: {  	s4 =	simm.s32 $_size__tile_overlayer_lowered;
	s5 =	simm.s32 $_tile_overlayer_lowered  }
0x9b: {  	s22 =	simm.s32 $0x1BFF;
	s21 =	sshll.u32 s5, $0x1;
	s2 =	sadd.s32 s19, s18  }
0x9c: {  	s6 =	simm.s32 $0x0;
	s20 =	sshll.u32 s4, $0x1;
	s4 =	sadd.s32 s21, s2  }
0x9d: {  	[timem:s6], [sflag:s22] =	dma.local [hbm:s4], s20  }
0x9e: {  	_ =	swait.ge [sflag:s22], s20  }
0x9f: {  	s3 =	ssub.s32 $0x0, s20;
	[sflag:s22] =	ssyncset.done $0x0  }
0xa0: {  	[sflag:s22] =	ssyncadd.s32 s3;
	_ =	sdelay $0x1  }
0xa1: {  	s23 =	simm.s32 $0x1B8B  }
0xa2: {  	_ =	swait.ge [sflag:s23], $0x1  }
0xa3: {  	[sflag:s23] =	ssyncset.done $0x0  }
0xa4: {  	s25 =	simm.s32 $0x1B8E;
	s24 =	sld [smem:$0x3FFE];
	[sflag:s23] =	ssyncadd.s32 $0xFFFFFFFF  }
0xa5: {  	s26 =	simm.s32 $execute0_lowered;
	[smem:$0x3FD2] =	sst s25  }
0xa6: {  	s4 =	sshll.u32 s26, $0x1;
	_ =	strace $0x80000046;
	[dreg:$0x1] =	wrdreg $0xFFFFFFFF  }
0xa7: {  	s28 =	simm.s32 $_size_execute0_lowered;
	s2 =	sadd.s32 s2, s4;
	[dreg:$0x0] =	wrdreg $0x0  }
0xa8: {  	s4 =	sshll.u32 s28, $0x1;
	[dreg:$0x2] =	wrdreg s2  }
0xa9: {  	[dreg:$0x3] =	wrdreg s4  }
0xaa: {  	[dreg:$0x4] =	wrdreg $0xC0  }
0xab: {  	_ =	task [dreg:s6], $0x5FFFF  }
0xac: {  	[dreg:$0x1] =	wrdreg $0xFFFFFFFF  }
0xad: {  	[dreg:$0x0] =	wrdreg $0x60  }
0xae: {  	[dreg:$0x2] =	wrdreg s24  }
0xaf: {  	[dreg:$0x3] =	wrdreg $0x9  }
0xb0: {  	_ =	task.clear_ibuf [dreg:s6], $0x4FFFF;
	_ =	strace $0x90000046  }
0xb1: {  	s29 =	simm.s32 $0x9;
	_ =	strace $0x80000048  }
0xb2: {  	_ =	swait.ge [sflag:s29], $0x1  }
0xb3: {  	[sflag:s29] =	ssyncadd.s32 $0xFFFFFFFF  }
0xb4: {  	_ =	strace $0x90000048  }
0xb5: {  	_ =	sfence  }
0xb6: {  	s30 =	sld [smem:$0x0];
	_ =	sdelay $0x2  }
0xb7: {  	s31 =	sshll.u32 s1, $0xD;
	s1 =	sshrl.u32 s1, $0x2  }
0xb8: {  	s3 =	sand.u32 $0x4000, s31;
	s1 =	sadd.s32 s1, s30  }
0xb9: {  	s0 =	sor.u32 s3, s0;
	s1 =	sshll.u32 s1, $0x11  }
0xba: {  	s0 =	sor.u32 s1, s0  }
0xbb: {  	s0 =	sadd.s32 $0x8F2B, s0  }
0xbc: {  	[sflag:s0] =	ssyncadd.remote.s32 $0x1  }
0xbd: {  	_ =	sfence.sel $0xFFFF  }
0xbe: {  	[dreg:$0x0] =	wrdreg $0xFFFFFFFF;
	(pc) =	sbr.abs _section_cstart, $3  }
0xbf: {  	[dreg:$0x1] =	wrdreg $0xFFFFFFFF  }
0xc0: {  	_ =	task.clear_ibuf [dreg:s6], $0x2FFFF;
	_ =	strace $0x9FFFFFFF  }
0xc1: {  	(tm) =	ssettm $0x7FFFFFFF  }
tec
execute0_lowered:
.L_overlay_start_1:
0x0: {  	(tag) =	ssettag $0x1  }
0x1: {  	s7 =	rddreg [dreg:$0x0]  }
0x2: {  	s0 =	rddreg [dreg:$0x1]  }
0x3: {  	s2 =	simm.s32 $0x0;
	s1 =	stileid.u32;
	s4 =	srdreg.scid  }
0x4: {  	s15 =	simm.s32 $0x80;
	s16 =	simm.s32 $0x100;
	s17 =	simm.s32 $0x180  }
0x5: {  	s18 =	simm.s32 $0x200;
	s19 =	simm.s32 $0x280;
	s20 =	simm.s32 $0x1  }
0x6: {  	s21 =	simm.s32 $0x2;
	s22 =	simm.s32 $0x0;
	[smem:$0x7FF] =	sst s2  }
0x7: {  	s3 =	smul.u32 $0xA0, s1;
	s5 =	sand.u32 $0x1, s4;
	s4 =	sadd.s32 $0x4E00, s7  }
0x8: {  	s6 =	sadd.s32 $0x6600, s7;
	_ =	strace $0x80000047;
	s9 =	ssub.s32 $0x2, s5  }
0x9: {  	s10 =	smul.u32 $0x50, s5;
	s5 =	sadd.s32 $0x5A00, s7;
	s11 =	sshrl.u32 s9, $0x1  }
0xa: {  	s8 =	sadd.s32 s3, s7;
	s3 =	sadd.s32 $0x4200, s7;
	s9 =	ssub.s32 s9, s11  }
0xb: {  	s7 =	sadd.s32 $0x7200, s7;
	s14 =	sadd.s32 s10, s8;
	s8 =	smax.u32 s9, $0x1  }
0xc: {  	s9 =	sadd.s32 $0x600, s14;
	s10 =	sadd.s32 $0x3800, s14;
	s11 =	sadd.s32 $0x2E00, s14  }
0xd: {  	s12 =	sadd.s32 $0x2400, s14;
	s13 =	sadd.s32 $0x1A00, s14;
	s14 =	sadd.s32 $0x1000, s14  }
.LBB2_1:
0xe: {  	s23 =	sadd.s32 $0x0, s14  }
0xf: {  	[tilespmem:s2], [sflag:$0x1] =	stream.linear.gather [hbm4b:s23+s2], $0x80, $0x38;
	[tilespmem:$0x480] =	vst v63  }
0x10: {  	s26 =	sadd.s32 $0x0, s13  }
0x11: {  	[tilespmem:s15], [sflag:$0x1] =	stream.linear.gather [hbm4b:s26+s2], $0x80, $0x38;
	[tilespmem:$0x480] =	vst v63  }
0x12: {  	s28 =	sadd.s32 $0x0, s12  }
0x13: {  	[tilespmem:s16], [sflag:$0x1] =	stream.linear.gather [hbm4b:s28+s2], $0x80, $0x38;
	[tilespmem:$0x480] =	vst v63  }
0x14: {  	s29 =	sadd.s32 $0x0, s11  }
0x15: {  	[tilespmem:s17], [sflag:$0x1] =	stream.linear.gather [hbm4b:s29+s2], $0x80, $0x38;
	[tilespmem:$0x480] =	vst v63  }
0x16: {  	s30 =	sadd.s32 $0x0, s10  }
0x17: {  	[tilespmem:s18], [sflag:$0x1] =	stream.linear.gather [hbm4b:s30+s2], $0x80, $0x38;
	[tilespmem:$0x480] =	vst v63  }
0x18: {  	s31 =	sadd.s32 $0x0, s9  }
0x19: {  	[tilespmem:s19], [sflag:$0x1] =	stream.linear.gather [hbm4b:s31+s2], $0x80, $0x38;
	[tilespmem:$0x480] =	vst v63  }
0x1a: {  	_ =	swait.ge [sflag:s20], $0x80  }
0x1b: {  	[sflag:s20] =	ssyncset.done $0x0  }
0x1c: {  	[sflag:s20] =	ssyncadd.s32 $0xFFFFFF80  }
0x1d: {  	_ =	swait.ge [sflag:s20], $0x80  }
0x1e: {  	[sflag:s20] =	ssyncset.done $0x0  }
0x1f: {  	[sflag:s20] =	ssyncadd.s32 $0xFFFFFF80  }
0x20: {  	_ =	swait.ge [sflag:s20], $0x80  }
0x21: {  	[sflag:s20] =	ssyncset.done $0x0  }
0x22: {  	[sflag:s20] =	ssyncadd.s32 $0xFFFFFF80  }
0x23: {  	_ =	swait.ge [sflag:s20], $0x80  }
0x24: {  	[sflag:s20] =	ssyncset.done $0x0  }
0x25: {  	[sflag:s20] =	ssyncadd.s32 $0xFFFFFF80  }
0x26: {  	_ =	swait.ge [sflag:s20], $0x80  }
0x27: {  	[sflag:s20] =	ssyncset.done $0x0  }
0x28: {  	[sflag:s20] =	ssyncadd.s32 $0xFFFFFF80  }
0x29: {  	_ =	swait.ge [sflag:s20], $0x80  }
0x2a: {  	[sflag:s20] =	ssyncset.done $0x0  }
0x2b: {  	[sflag:s20] =	ssyncadd.s32 $0xFFFFFF80  }
0x2c: {  	[hbm4b:s3+s15] =	stream.indirect.scatter [tilespmem:s15], [sflag:$0x2], $0x1, s2, s15, $0xb8;
	[tilespmem:$0x480] =	vst v63  }
0x2d: {  	_ = 	snop  }
0x2e: {  	[hbm4b:s4+s15] =	stream.indirect.scatter [tilespmem:s16], [sflag:$0x2], $0x1, s2, s15, $0xb8;
	[tilespmem:$0x480] =	vst v63  }
0x2f: {  	_ = 	snop  }
0x30: {  	[hbm4b:s5+s15] =	stream.indirect.scatter [tilespmem:s17], [sflag:$0x2], $0x1, s2, s15, $0xb8;
	[tilespmem:$0x480] =	vst v63  }
0x31: {  	_ = 	snop  }
0x32: {  	[hbm4b:s6+s15] =	stream.indirect.scatter [tilespmem:s18], [sflag:$0x2], $0x1, s2, s15, $0xb8;
	[tilespmem:$0x480] =	vst v63  }
0x33: {  	_ = 	snop  }
0x34: {  	[hbm4b:s7+s15] =	stream.indirect.scatter [tilespmem:s19], [sflag:$0x2], $0x1, s2, s15, $0xb8;
	[tilespmem:$0x480] =	vst v63  }
0x35: {  	_ =	swait.ge [sflag:s21], $0x80  }
0x36: {  	[sflag:s21] =	ssyncset.done $0x0  }
0x37: {  	[sflag:s21] =	ssyncadd.s32 $0xFFFFFF80  }
0x38: {  	_ =	swait.ge [sflag:s21], $0x80  }
0x39: {  	[sflag:s21] =	ssyncset.done $0x0  }
0x3a: {  	[sflag:s21] =	ssyncadd.s32 $0xFFFFFF80  }
0x3b: {  	_ =	swait.ge [sflag:s21], $0x80  }
0x3c: {  	[sflag:s21] =	ssyncset.done $0x0  }
0x3d: {  	[sflag:s21] =	ssyncadd.s32 $0xFFFFFF80  }
0x3e: {  	_ =	swait.ge [sflag:s21], $0x80  }
0x3f: {  	[sflag:s21] =	ssyncset.done $0x0  }
0x40: {  	[sflag:s21] =	ssyncadd.s32 $0xFFFFFF80  }
0x41: {  	_ =	swait.ge [sflag:s21], $0x80  }
0x42: {  	s25 =	simm.s32 $0x20;
	s23 =	simm.s32 $0x10;
	[sflag:s21] =	ssyncset.done $0x0  }
.LBB2_2:
0x43: {  	s26 =	sadd.s32 s23, s14  }
0x44: {  	[sflag:s21] =	ssyncadd.s32 $0xFFFFFF80;
	s28 =	smov.u32 s25;
	s24 =	sadd.s32 $0x10, s25  }
0x45: {  	[tilespmem:s2], [sflag:$0x1] =	stream.linear.gather [hbm4b:s26+s2], $0x80, $0x38;
	[tilespmem:$0x480] =	vst v63  }
0x46: {  	p0 =	sne.s32 s25, $0x40;
	s25 =	sadd.s32 s23, s13  }
0x47: {  	[tilespmem:s15], [sflag:$0x1] =	stream.linear.gather [hbm4b:s25+s2], $0x80, $0x38;
	[tilespmem:$0x480] =	vst v63  }
0x48: {  	s25 =	sadd.s32 s23, s12  }
0x49: {  	[tilespmem:s16], [sflag:$0x1] =	stream.linear.gather [hbm4b:s25+s2], $0x80, $0x38;
	[tilespmem:$0x480] =	vst v63  }
0x4a: {  	s25 =	sadd.s32 s23, s11  }
0x4b: {  	[tilespmem:s17], [sflag:$0x1] =	stream.linear.gather [hbm4b:s25+s2], $0x80, $0x38;
	[tilespmem:$0x480] =	vst v63  }
0x4c: {  	s25 =	sadd.s32 s23, s10  }
0x4d: {  	[tilespmem:s18], [sflag:$0x1] =	stream.linear.gather [hbm4b:s25+s2], $0x80, $0x38;
	[tilespmem:$0x480] =	vst v63  }
0x4e: {  	s25 =	sadd.s32 s23, s9;
	s23 =	smov.u32 s28  }
0x4f: {  	[tilespmem:s19], [sflag:$0x1] =	stream.linear.gather [hbm4b:s25+s2], $0x80, $0x38;
	[tilespmem:$0x480] =	vst v63  }
0x50: {  	_ =	swait.ge [sflag:s20], $0x80  }
0x51: {  	[sflag:s20] =	ssyncset.done $0x0  }
0x52: {  	[sflag:s20] =	ssyncadd.s32 $0xFFFFFF80  }
0x53: {  	_ =	swait.ge [sflag:s20], $0x80  }
0x54: {  	[sflag:s20] =	ssyncset.done $0x0  }
0x55: {  	[sflag:s20] =	ssyncadd.s32 $0xFFFFFF80  }
0x56: {  	_ =	swait.ge [sflag:s20], $0x80  }
0x57: {  	[sflag:s20] =	ssyncset.done $0x0  }
0x58: {  	[sflag:s20] =	ssyncadd.s32 $0xFFFFFF80  }
0x59: {  	_ =	swait.ge [sflag:s20], $0x80  }
0x5a: {  	[sflag:s20] =	ssyncset.done $0x0  }
0x5b: {  	[sflag:s20] =	ssyncadd.s32 $0xFFFFFF80  }
0x5c: {  	_ =	swait.ge [sflag:s20], $0x80  }
0x5d: {  	[sflag:s20] =	ssyncset.done $0x0  }
0x5e: {  	[sflag:s20] =	ssyncadd.s32 $0xFFFFFF80  }
0x5f: {  	_ =	swait.ge [sflag:s20], $0x80  }
0x60: {  	[sflag:s20] =	ssyncset.done $0x0  }
0x61: {  	[sflag:s20] =	ssyncadd.s32 $0xFFFFFF80  }
0x62: {  	[hbm4b:s3+s15] =	stream.indirect.scatter [tilespmem:s15], [sflag:$0x2], $0x1, s2, s15, $0xb8;
	[tilespmem:$0x480] =	vst v63  }
0x63: {  	_ = 	snop  }
0x64: {  	[hbm4b:s4+s15] =	stream.indirect.scatter [tilespmem:s16], [sflag:$0x2], $0x1, s2, s15, $0xb8;
	[tilespmem:$0x480] =	vst v63  }
0x65: {  	_ = 	snop  }
0x66: {  	[hbm4b:s5+s15] =	stream.indirect.scatter [tilespmem:s17], [sflag:$0x2], $0x1, s2, s15, $0xb8;
	[tilespmem:$0x480] =	vst v63  }
0x67: {  	_ = 	snop  }
0x68: {  	[hbm4b:s6+s15] =	stream.indirect.scatter [tilespmem:s18], [sflag:$0x2], $0x1, s2, s15, $0xb8;
	[tilespmem:$0x480] =	vst v63  }
0x69: {  	_ = 	snop  }
0x6a: {  	[hbm4b:s7+s15] =	stream.indirect.scatter [tilespmem:s19], [sflag:$0x2], $0x1, s2, s15, $0xb8;
	[tilespmem:$0x480] =	vst v63  }
0x6b: {  	_ =	swait.ge [sflag:s21], $0x80  }
0x6c: {  	[sflag:s21] =	ssyncset.done $0x0  }
0x6d: {  	[sflag:s21] =	ssyncadd.s32 $0xFFFFFF80  }
0x6e: {  	_ =	swait.ge [sflag:s21], $0x80  }
0x6f: {  	[sflag:s21] =	ssyncset.done $0x0  }
0x70: {  	[sflag:s21] =	ssyncadd.s32 $0xFFFFFF80  }
0x71: {  	_ =	swait.ge [sflag:s21], $0x80  }
0x72: {  	[sflag:s21] =	ssyncset.done $0x0  }
0x73: {  	[sflag:s21] =	ssyncadd.s32 $0xFFFFFF80  }
.Ltmp0:
0x74: {  	_ =	swait.ge [sflag:s21], $0x80;
	(pc) =	sbr.rel @p0 .LBB2_2-.Ltmp0, $4  }
0x75: {  	[sflag:s21] =	ssyncset.done $0x0  }
0x76: {  	[sflag:s21] =	ssyncadd.s32 $0xFFFFFF80  }
0x77: {  	_ =	swait.ge [sflag:s21], $0x80  }
0x78: {  	s25 =	smov.u32 s24;
	[sflag:s21] =	ssyncset.done $0x0  }
0x79: {  	s24 =	sadd.s32 s23, s14;
	[sflag:s21] =	ssyncadd.s32 $0xFFFFFF80  }
0x7a: {  	[tilespmem:s2], [sflag:$0x1] =	stream.linear.gather [hbm4b:s24+s2], $0x80, $0x38;
	[tilespmem:$0x480] =	vst v63  }
0x7b: {  	s26 =	sadd.s32 s23, s13  }
0x7c: {  	[tilespmem:s15], [sflag:$0x1] =	stream.linear.gather [hbm4b:s26+s2], $0x80, $0x38;
	[tilespmem:$0x480] =	vst v63  }
0x7d: {  	s28 =	sadd.s32 s23, s12  }
0x7e: {  	[tilespmem:s16], [sflag:$0x1] =	stream.linear.gather [hbm4b:s28+s2], $0x80, $0x38;
	[tilespmem:$0x480] =	vst v63  }
0x7f: {  	s29 =	sadd.s32 s23, s11  }
0x80: {  	[tilespmem:s17], [sflag:$0x1] =	stream.linear.gather [hbm4b:s29+s2], $0x80, $0x38;
	[tilespmem:$0x480] =	vst v63  }
0x81: {  	s30 =	sadd.s32 s23, s10  }
0x82: {  	[tilespmem:s18], [sflag:$0x1] =	stream.linear.gather [hbm4b:s30+s2], $0x80, $0x38;
	[tilespmem:$0x480] =	vst v63  }
0x83: {  	s31 =	sadd.s32 s23, s9  }
0x84: {  	[tilespmem:s19], [sflag:$0x1] =	stream.linear.gather [hbm4b:s31+s2], $0x80, $0x38;
	[tilespmem:$0x480] =	vst v63  }
0x85: {  	_ =	swait.ge [sflag:s20], $0x80  }
0x86: {  	[sflag:s20] =	ssyncset.done $0x0  }
0x87: {  	[sflag:s20] =	ssyncadd.s32 $0xFFFFFF80  }
0x88: {  	_ =	swait.ge [sflag:s20], $0x80  }
0x89: {  	[sflag:s20] =	ssyncset.done $0x0  }
0x8a: {  	[sflag:s20] =	ssyncadd.s32 $0xFFFFFF80  }
0x8b: {  	_ =	swait.ge [sflag:s20], $0x80  }
0x8c: {  	[sflag:s20] =	ssyncset.done $0x0  }
0x8d: {  	[sflag:s20] =	ssyncadd.s32 $0xFFFFFF80  }
0x8e: {  	_ =	swait.ge [sflag:s20], $0x80  }
0x8f: {  	[sflag:s20] =	ssyncset.done $0x0  }
0x90: {  	[sflag:s20] =	ssyncadd.s32 $0xFFFFFF80  }
0x91: {  	_ =	swait.ge [sflag:s20], $0x80  }
0x92: {  	[sflag:s20] =	ssyncset.done $0x0  }
0x93: {  	[sflag:s20] =	ssyncadd.s32 $0xFFFFFF80  }
0x94: {  	_ =	swait.ge [sflag:s20], $0x80  }
0x95: {  	[sflag:s20] =	ssyncset.done $0x0  }
0x96: {  	[sflag:s20] =	ssyncadd.s32 $0xFFFFFF80  }
0x97: {  	[hbm4b:s3+s15] =	stream.indirect.scatter [tilespmem:s15], [sflag:$0x2], $0x1, s2, s15, $0xb8;
	[tilespmem:$0x480] =	vst v63  }
0x98: {  	_ = 	snop  }
0x99: {  	[hbm4b:s4+s15] =	stream.indirect.scatter [tilespmem:s16], [sflag:$0x2], $0x1, s2, s15, $0xb8;
	[tilespmem:$0x480] =	vst v63  }
0x9a: {  	_ = 	snop  }
0x9b: {  	[hbm4b:s5+s15] =	stream.indirect.scatter [tilespmem:s17], [sflag:$0x2], $0x1, s2, s15, $0xb8;
	[tilespmem:$0x480] =	vst v63  }
0x9c: {  	_ = 	snop  }
0x9d: {  	[hbm4b:s6+s15] =	stream.indirect.scatter [tilespmem:s18], [sflag:$0x2], $0x1, s2, s15, $0xb8;
	[tilespmem:$0x480] =	vst v63  }
0x9e: {  	_ = 	snop  }
0x9f: {  	[hbm4b:s7+s15] =	stream.indirect.scatter [tilespmem:s19], [sflag:$0x2], $0x1, s2, s15, $0xb8;
	[tilespmem:$0x480] =	vst v63  }
0xa0: {  	_ =	swait.ge [sflag:s21], $0x80  }
0xa1: {  	[sflag:s21] =	ssyncset.done $0x0  }
0xa2: {  	[sflag:s21] =	ssyncadd.s32 $0xFFFFFF80  }
0xa3: {  	_ =	swait.ge [sflag:s21], $0x80  }
0xa4: {  	[sflag:s21] =	ssyncset.done $0x0  }
0xa5: {  	[sflag:s21] =	ssyncadd.s32 $0xFFFFFF80  }
0xa6: {  	_ =	swait.ge [sflag:s21], $0x80  }
0xa7: {  	[sflag:s21] =	ssyncset.done $0x0  }
0xa8: {  	s22 =	sadd.s32 $0x1, s22;
	[sflag:s21] =	ssyncadd.s32 $0xFFFFFF80  }
0xa9: {  	p0 =	sne.s32 s22, s8;
	_ =	swait.ge [sflag:s21], $0x80  }
.Ltmp1:
0xaa: {  	[sflag:s21] =	ssyncset.done $0x0;
	(pc) =	sbr.rel @p0 .LBB2_1-.Ltmp1, $4  }
0xab: {  	[sflag:s21] =	ssyncadd.s32 $0xFFFFFF80  }
0xac: {  	_ =	swait.ge [sflag:s21], $0x80  }
0xad: {  	[sflag:s21] =	ssyncset.done $0x0  }
0xae: {  	[sflag:s21] =	ssyncadd.s32 $0xFFFFFF80  }
0xaf: {  	_ =	sfence.sel $0x180000  }
0xb0: {  	[bflag:$0x0] =	sbarrier.arrive $0xFFFF  }
0xb1: {  	p0 =	sne.s32 s1, $0x0;
	_ =	strace $0x90000047  }
0xb2: {  	s0 =	sadd.s32 @!p0 $0x100000, s0;
	[bflag:$0x2] =	sbarrier.arrive $0xFFFF  }
0xb3: {  	[sflag:s0] =	ssyncadd.tile.s32 @!p0 $0x1;
	_ =	shalt  }
.Lfunc_end2:
_tile_overlayer_lowered:
.L_overlay_start_2:
0xb4: {  	(tag) =	ssettag $0x2  }
0xb5: {  	s0 =	rddreg [dreg:$0x0];
	s2 =	stileid.u32  }
0xb6: {  	s1 =	rddreg [dreg:$0x1];
	p0 =	sne.s32 s2, $0x0  }
0xb7: {  	s3 =	rddreg [dreg:$0x2];
	[bflag:$0x3] =	sbarrier.arrive $0xFFFF;
	s2 =	simm.s32 @!p0 $0x1C03  }
0xb8: {  	[timem:s3], [sflag:s2] =	dma.local @!p0 [hbm:s0], s1  }
0xb9: {  	s0 =	simm.s32 @!p0 $0x3  }
0xba: {  	_ =	swait.ge @!p0 [sflag:s0], s1  }
0xbb: {  	s1 =	ssub.s32 @!p0 $0x0, s1;
	[sflag:s0] =	ssyncset.done @!p0 $0x0  }
0xbc: {  	[sflag:s0] =	ssyncadd.s32 @!p0 s1  }
0xbd: {  	[bflag:$0x3] =	sbarrier.arrive $0xFFFF  }
0xbe: {  	_ =	shalt  }

</sc_bundles>
